<compile_context>
chip_gen: v7x
topology: tpu7x:2x2x1
jax: 0.10.2.dev20260603
libtpu: 0.0.44.dev20260713+nightly
codegen_flags: <defaults>
</compile_context>

<pallas_src>
import functools

import jax
import jax.numpy as jnp
import numpy as np
from jax.experimental import pallas as pl
from jax.experimental.pallas import tpu as pltpu
from jax.experimental.pallas import tpu_sc as plsc

_B, _V, _D, _K = 64, 4096, 1024, 8
_BV = 1024
_NBLK = _V // _BV
_BD = _D // _NBLK
_NC = _NBLK * _K
_S = 10
_P = _B * _S
_SC_NC, _SC_NS = 1, 16
_NW = _SC_NC * _SC_NS
_PPW = _P // _NW


def _pack(x, idx):
    b = jax.lax.bitcast_convert_type(x, jnp.int32)
    s = jnp.where(b < 0, b ^ np.int32(0x7FFFFFFF), b)
    return (s & np.int32(-4096)) | (np.int32(4095) - idx)


def _unpack_val(key):
    s = key & np.int32(-4096)
    b = jnp.where(s < 0, s ^ np.int32(0x7FFFFFFF), s)
    return jax.lax.bitcast_convert_type(b, jnp.float32)


def _unpack_idx(key):
    return np.int32(4095) - (key & np.int32(4095))


_IMIN = np.int32(-2147483648)


def _select_body(enc, wenc, gum,
                 idx_out, coef_out,
                 scores_s, ckey_s):
    j = pl.program_id(0)

    sblk = jnp.dot(enc[...], wenc[...], preferred_element_type=jnp.float32)
    scores_s[:, pl.ds(pl.multiple_of(j * _BV, _BV), _BV)] = sblk

    iota_b = jax.lax.broadcasted_iota(jnp.int32, (_B, _BV), 1)
    iota_cc = jax.lax.broadcasted_iota(jnp.int32, (_B, _NC), 1)
    work = _pack(sblk, iota_b + j * _BV)
    newk = jnp.zeros((_B, _NC), jnp.int32)
    for i in range(_K):
        rowmax = jnp.max(work, axis=-1, keepdims=True)
        work = jnp.where(work == rowmax, _IMIN, work)
        newk = jnp.where(iota_cc == j * _K + i, rowmax, newk)
    blk_slots = (iota_cc >= j * _K) & (iota_cc < (j + 1) * _K)
    ckey_s[...] = jnp.where(blk_slots, newk, ckey_s[...])

    @pl.when(j == _NBLK - 1)
    def _tail():
        scores = scores_s[...]
        m = jnp.max(scores, axis=-1, keepdims=True)
        ex = jnp.exp(scores - m)
        se = jnp.sum(ex, axis=-1, keepdims=True)
        logse = jnp.log(se)

        work = ckey_s[...]
        top_idx, top_coef = [], []
        kmax = None
        for _ in range(_K):
            kmax = jnp.max(work, axis=-1, keepdims=True)
            work = jnp.where(work == kmax, _IMIN, work)
            zk = _unpack_idx(kmax)
            sk = _unpack_val(kmax)
            pk = jnp.exp(sk - m) / se
            lpk = (sk - m) - logse
            top_idx.append(zk)
            top_coef.append((1.0 + lpk) * pk)

        iota_v = jax.lax.broadcasted_iota(jnp.int32, (_B, _V), 1)
        keyfull = _pack(scores, iota_v)
        notmask = (keyfull < kmax).astype(jnp.float32)

        prob = ex / se
        sw = jnp.sum(prob * notmask, axis=-1, keepdims=True)
        cond = (prob + 1e-12) * notmask / (sw + 1e-12)
        logits = jnp.log(cond) + gum[...]
        rowmax2 = jnp.max(logits, axis=-1, keepdims=True)
        zs = jnp.min(jnp.where(logits == rowmax2, iota_v, _V),
                     axis=-1, keepdims=True)
        s_smp = jnp.sum(jnp.where(iota_v == zs, scores, 0.0),
                        axis=-1, keepdims=True)
        lp_smp = (s_smp - m) - logse
        coef_smp = (1.0 + lp_smp) * sw

        zero_i = jnp.zeros((_B, _S - _K - 1), jnp.int32)
        zero_f = jnp.zeros((_B, _S - _K - 1), jnp.float32)
        idx_out[...] = jnp.concatenate(top_idx + [zs, zero_i], axis=1)
        coef_out[...] = jnp.concatenate(top_coef + [coef_smp, zero_f], axis=1)


def _resid_body(dec, lab, wdec, r_out):
    j = pl.program_id(0)

    @pl.when(j == 0)
    def _init():
        r_out[...] = -lab[...]

    r_out[...] += jnp.dot(dec[...], wdec[...],
                          preferred_element_type=jnp.float32)


@functools.cache
def _sc_gather_fn():
    mesh = plsc.VectorSubcoreMesh(core_axis_name="c", subcore_axis_name="s",
                                  num_cores=_SC_NC, num_subcores=_SC_NS)

    @functools.partial(
        pl.kernel,
        mesh=mesh,
        out_type=jax.ShapeDtypeStruct((_P, _D), jnp.float32),
        scratch_types=[
            pltpu.VMEM((_PPW,), jnp.int32),
            pltpu.VMEM((_PPW, _D), jnp.float32),
            pltpu.SemaphoreType.DMA,
            pltpu.SemaphoreType.DMA,
            pltpu.SemaphoreType.DMA,
        ],
    )
    def _sc_gather(emb_hbm, idx_hbm, out_hbm, idx_v, rows_v,
                   sem_a, sem_b, sem_w):
        wid = jax.lax.axis_index("s") * _SC_NC + jax.lax.axis_index("c")
        base = wid * _PPW
        ha, hb = 24, _PPW - 24
        pltpu.sync_copy(idx_hbm.at[pl.ds(base, _PPW)], idx_v)
        cp_a = pltpu.async_copy(emb_hbm.at[idx_v.at[pl.ds(0, ha)]],
                                rows_v.at[pl.ds(0, ha)], sem_a)
        cp_b = pltpu.async_copy(emb_hbm.at[idx_v.at[pl.ds(ha, hb)]],
                                rows_v.at[pl.ds(ha, hb)], sem_b)
        cp_a.wait()
        cp_w = pltpu.async_copy(rows_v.at[pl.ds(0, ha)],
                                out_hbm.at[pl.ds(base, ha)], sem_w)
        cp_b.wait()
        pltpu.sync_copy(rows_v.at[pl.ds(ha, hb)],
                        out_hbm.at[pl.ds(base + ha, hb)])
        cp_w.wait()

    return _sc_gather


def _combine_body(rows, cflat, r, out):
    e = rows[...]
    c = cflat[...]
    t1 = jnp.sum(jnp.sum(e * e, axis=-1, keepdims=True) * c)
    bi = jax.lax.broadcasted_iota(jnp.int32, (_B, _P), 0)
    pj = jax.lax.broadcasted_iota(jnp.int32, (_B, _P), 1)
    sel = ((pj >= bi * _S) & (pj < bi * _S + _S)).astype(jnp.float32)
    w = jnp.dot(sel, e * c, preferred_element_type=jnp.float32)
    rr = r[...]
    t2 = jnp.sum(w * rr)
    r2 = jnp.sum(rr * rr, axis=-1, keepdims=True)
    csum = jnp.dot(sel, c, preferred_element_type=jnp.float32)
    t3 = jnp.sum(r2 * csum)
    out[0, 0] = (t1 + 2.0 * t2 + t3) * (1.0 / (_D * _B))


def kernel(encoder_input, decoder_input, labels, W_enc, emb, W_dec):
    gum = jax.random.gumbel(jax.random.key(123), (_B, _V), jnp.float32)
    idx_mat, coefs = pl.pallas_call(
        _select_body,
        grid=(_NBLK,),
        in_specs=[
            pl.BlockSpec((_B, _D), lambda j: (0, 0)),
            pl.BlockSpec((_D, _BV), lambda j: (0, j)),
            pl.BlockSpec((_B, _V), lambda j: (0, 0)),
        ],
        out_shape=[
            jax.ShapeDtypeStruct((_B, _S), jnp.int32),
            jax.ShapeDtypeStruct((_B, _S), jnp.float32),
        ],
        out_specs=[
            pl.BlockSpec((_B, _S), lambda j: (0, 0)),
            pl.BlockSpec((_B, _S), lambda j: (0, 0)),
        ],
        scratch_shapes=[
            pltpu.VMEM((_B, _V), jnp.float32),
            pltpu.VMEM((_B, _NC), jnp.int32),
        ],
        compiler_params=pltpu.CompilerParams(
            dimension_semantics=("arbitrary",),
        ),
    )(encoder_input, W_enc, gum)

    rows = _sc_gather_fn()(emb, idx_mat.reshape(_P))
    r = pl.pallas_call(
        _resid_body,
        grid=(_NBLK,),
        in_specs=[
            pl.BlockSpec((_B, _BD), lambda j: (0, j)),
            pl.BlockSpec((_B, _D), lambda j: (0, 0)),
            pl.BlockSpec((_BD, _D), lambda j: (j, 0)),
        ],
        out_shape=jax.ShapeDtypeStruct((_B, _D), jnp.float32),
        out_specs=pl.BlockSpec((_B, _D), lambda j: (0, 0)),
        compiler_params=pltpu.CompilerParams(
            dimension_semantics=("arbitrary",),
        ),
    )(decoder_input, labels, W_dec)
    out = pl.pallas_call(
        _combine_body,
        out_shape=jax.ShapeDtypeStruct((1, 1), jnp.float32),
        out_specs=pl.BlockSpec(memory_space=pltpu.SMEM),
    )(rows, coefs.reshape(_P, 1), r)
    return out[0, 0]

# --- scband reference (transcript-rebuilt; emitter-appended) ---
"""Pipeline reference for scband-sum-and-sample-71073118814677 (READ-ONLY COPY).

The authoritative reference and input builder live on the scoring server;
editing this copy changes nothing except your own understanding.
"""

import jax, jax.numpy as jnp
import numpy as np

B = 64
V = 4096
D = 1024
K = 8


def setup_inputs(seed: int = 0) -> dict:
    key = jax.random.key(seed)
    ks = jax.random.split(key, 6)
    return {
        "encoder_input": jax.random.normal(ks[0], (B, D), dtype=jnp.float32),
        "decoder_input": jax.random.normal(ks[1], (B, D), dtype=jnp.float32),
        "labels": jax.random.normal(ks[2], (B, D), dtype=jnp.float32),
        "W_enc": jax.random.normal(ks[3], (D, V), dtype=jnp.float32) * 0.02,
        "emb": jax.random.normal(ks[4], (V, D), dtype=jnp.float32) * 0.02,
        "W_dec": jax.random.normal(ks[5], (D, D), dtype=jnp.float32) * 0.02,
    }


def _decoder(z, dec_in, emb, W_dec):
    # DeterministicWrapper-style decoder: embedding lookup of discrete z + linear map of decoder_input
    return jnp.take(emb, z, axis=0) + dec_in @ W_dec


def _loss(dec_out, labels):
    # per-sample reconstruction loss, shape [B]
    return jnp.mean((dec_out - labels) ** 2, axis=-1)


def reference(encoder_input, decoder_input, labels, W_enc, emb, W_dec):
    topk = K
    # encoder (SumAndSampleWrapper): scores, entropy, MAP latent
    encoder_scores = encoder_input @ W_enc
    encoder_log_prob = jax.nn.log_softmax(encoder_scores, axis=-1)
    probs_full = jax.nn.softmax(encoder_scores, axis=-1)
    encoder_entropy = -jnp.sum(probs_full * encoder_log_prob, axis=-1)
    discrete_latent_z = jnp.argmax(encoder_scores, axis=-1)
    entropy_loss = -(encoder_entropy.mean() * 0.0)  # encoder_entropy_coeff = 0.0

    # training branch
    encoder_prob = jax.nn.softmax(jax.lax.stop_gradient(encoder_scores), axis=-1)
    _, topk_domain = jax.lax.top_k(encoder_prob, topk)
    seq_tensor = jnp.arange(encoder_scores.shape[0])
    concentrated_mask = jnp.zeros_like(encoder_prob)
    for i in range(topk):
        concentrated_mask = concentrated_mask.at[seq_tensor, topk_domain[:, i]].set(1.0)
    concentrated_mask = jax.lax.stop_gradient(concentrated_mask)

    summed_term = 0.0
    for ii in range(topk):
        possible_z = topk_domain[:, ii]
        decoder_output = _decoder(possible_z, decoder_input, emb, W_dec)
        loss_sum_term = _loss(decoder_output, labels)
        baseline = 0.0  # baseline_type 'none'
        encoder_log_prob_i = encoder_log_prob[seq_tensor, possible_z]
        grad_estimate_loss = (jax.lax.stop_gradient(loss_sum_term) - baseline) * encoder_log_prob_i + loss_sum_term
        summed_weights = encoder_prob[seq_tensor, possible_z]
        summed_term = summed_term + grad_estimate_loss * summed_weights

    sampled_weight = jnp.sum(encoder_prob * (1.0 - concentrated_mask), axis=1, keepdims=True)
    # topk != V, so sample from the conditional (off-topk) distribution
    conditional_encoder_prob = (encoder_prob + 1e-12) * (1.0 - concentrated_mask) / (sampled_weight + 1e-12)
    conditional_z_sample = jax.lax.stop_gradient(
        jax.random.categorical(jax.random.key(123), jnp.log(conditional_encoder_prob), axis=-1)
    )
    decoder_output = _decoder(conditional_z_sample, decoder_input, emb, W_dec)
    loss_sum_term = _loss(decoder_output, labels)
    baseline = 0.0
    encoder_log_prob_i = encoder_log_prob[seq_tensor, conditional_z_sample]
    grad_estimate_loss_sample = (jax.lax.stop_gradient(loss_sum_term) - baseline) * encoder_log_prob_i + loss_sum_term

    loss = grad_estimate_loss_sample * jnp.squeeze(sampled_weight, axis=-1) + summed_term

    # MAP evaluation (no grad)
    decoder_output_map = jax.lax.stop_gradient(_decoder(discrete_latent_z, decoder_input, emb, W_dec))
    map_loss = _loss(decoder_output_map, jax.lax.stop_gradient(labels))

    full_loss = loss.mean() + entropy_loss
    return full_loss

if __name__ == "__main__":
    import jax
    _d = setup_inputs()
    print(jax.jit(kernel)(*tuple(_d.values())))

</pallas_src>

<mosaic_0001>
#map = affine_map<(d0, d1) -> (0, 0)>
#map1 = affine_map<(d0, d1) -> (0)>
module attributes {stable_mosaic.version = 14 : i64} {
  func.func @_sc_gather(%arg0: i32, %arg1: i32, %arg2: memref<4096x1024xf32, #tpu.memory_space<hbm>>, %arg3: memref<640xi32, #tpu.memory_space<hbm>>, %arg4: memref<640x1024xf32, #tpu.memory_space<hbm>>, %arg5: memref<40xi32, #tpu.memory_space<vmem>>, %arg6: memref<40x1024xf32, #tpu.memory_space<vmem>>, %arg7: memref<!tpu.dma_semaphore, #tpu.memory_space<semaphore_mem>>, %arg8: memref<!tpu.dma_semaphore, #tpu.memory_space<semaphore_mem>>, %arg9: memref<!tpu.dma_semaphore, #tpu.memory_space<semaphore_mem>>) attributes {dimension_semantics = [#tpu.dimension_semantics<core_parallel>, #tpu.dimension_semantics<subcore_parallel>], iteration_bounds = array<i64: 1, 16>, scalar_prefetch = 0 : i64, scratch_operands = 5 : i64, tpu.core_type = #tpu.core_type<sc_vector_subcore>, window_params = [{transform_indices = #map}, {transform_indices = #map1}, {transform_indices = #map}]} {
    %mul3A = arith.constant 1 : i32
    %mul3A_0 = arith.muli %arg1, %mul3A : i32
    %add3A = arith.addi %mul3A_0, %arg0 : i32
    %mul3A_1 = arith.constant 40 : i32
    %mul3A_2 = arith.muli %add3A, %mul3A_1 : i32
    "tpu.region"() ({
      %run_scoped3A = tpu.sem_alloc : memref<!tpu.dma_semaphore, #tpu.memory_space<semaphore_mem>>
      %dma_start3A_55 = tpu.memref_slice %arg3[%mul3A_2] : memref<640xi32, #tpu.memory_space<hbm>> -> memref<40xi32, #tpu.memory_space<hbm>>
      %dma_start3A_56 = tpu.memref_slice %arg3[%mul3A_2] : memref<640xi32, #tpu.memory_space<hbm>> -> memref<40xi32, #tpu.memory_space<hbm>>
      tpu.enqueue_dma source(%dma_start3A_56 : memref<40xi32, #tpu.memory_space<hbm>>) target(%arg5 : memref<40xi32, #tpu.memory_space<vmem>>) target_semaphore(%run_scoped3A : memref<!tpu.dma_semaphore, #tpu.memory_space<semaphore_mem>>)
      %dma_wait3A_57 = tpu.memref_slice %arg3[%mul3A_2] : memref<640xi32, #tpu.memory_space<hbm>> -> memref<40xi32, #tpu.memory_space<hbm>>
      %dma_wait3A_58 = tpu.memref_slice %arg3[%mul3A_2] : memref<640xi32, #tpu.memory_space<hbm>> -> memref<40xi32, #tpu.memory_space<hbm>>
      tpu.wait_dma2 semaphore(%run_scoped3A : memref<!tpu.dma_semaphore, #tpu.memory_space<semaphore_mem>>) src(%dma_wait3A_58 : memref<40xi32, #tpu.memory_space<hbm>>) dst(%arg5 : memref<40xi32, #tpu.memory_space<vmem>>)
      tpu.yield
    }) : () -> ()
    %dma_start3A = arith.constant 0 : i32
    %dma_start3A_3 = arith.constant 0 : i32
    %dma_start3A_4 = tpu.memref_slice %arg6[%dma_start3A, %dma_start3A_3] : memref<40x1024xf32, #tpu.memory_space<vmem>> -> memref<24x1024xf32, #tpu.memory_space<vmem>>
    %dma_start3A_5 = arith.constant 0 : i32
    %dma_start3A_6 = tpu.memref_slice %arg5[%dma_start3A_5] : memref<40xi32, #tpu.memory_space<vmem>> -> memref<24xi32, #tpu.memory_space<vmem>>
    %dma_start3A_7 = arith.constant 0 : i32
    %dma_start3A_8 = arith.constant 0 : i32
    %dma_start3A_9 = tpu.memref_slice %arg2[%dma_start3A_7, %dma_start3A_8] : memref<4096x1024xf32, #tpu.memory_space<hbm>> -> memref<4096x1024xf32, #tpu.memory_space<hbm>>
    tpu.enqueue_indirect_dma source(%dma_start3A_9 : memref<4096x1024xf32, #tpu.memory_space<hbm>>) target(%dma_start3A_4 : memref<24x1024xf32, #tpu.memory_space<vmem>>) offsets(%dma_start3A_6 : memref<24xi32, #tpu.memory_space<vmem>>) semaphore(%arg7 : memref<!tpu.dma_semaphore, #tpu.memory_space<semaphore_mem>>)
    %dma_start3A_10 = arith.constant 24 : i32
    %dma_start3A_11 = arith.constant 0 : i32
    %dma_start3A_12 = tpu.memref_slice %arg6[%dma_start3A_10, %dma_start3A_11] : memref<40x1024xf32, #tpu.memory_space<vmem>> -> memref<16x1024xf32, #tpu.memory_space<vmem>>
    %dma_start3A_13 = arith.constant 24 : i32
    %dma_start3A_14 = tpu.memref_slice %arg5[%dma_start3A_13] : memref<40xi32, #tpu.memory_space<vmem>> -> memref<16xi32, #tpu.memory_space<vmem>>
    %dma_start3A_15 = arith.constant 0 : i32
    %dma_start3A_16 = arith.constant 0 : i32
    %dma_start3A_17 = tpu.memref_slice %arg2[%dma_start3A_15, %dma_start3A_16] : memref<4096x1024xf32, #tpu.memory_space<hbm>> -> memref<4096x1024xf32, #tpu.memory_space<hbm>>
    tpu.enqueue_indirect_dma source(%dma_start3A_17 : memref<4096x1024xf32, #tpu.memory_space<hbm>>) target(%dma_start3A_12 : memref<16x1024xf32, #tpu.memory_space<vmem>>) offsets(%dma_start3A_14 : memref<16xi32, #tpu.memory_space<vmem>>) semaphore(%arg8 : memref<!tpu.dma_semaphore, #tpu.memory_space<semaphore_mem>>)
    %dma_wait3A = arith.constant 0 : i32
    %dma_wait3A_18 = arith.constant 0 : i32
    %dma_wait3A_19 = tpu.memref_slice %arg6[%dma_wait3A, %dma_wait3A_18] : memref<40x1024xf32, #tpu.memory_space<vmem>> -> memref<24x1024xf32, #tpu.memory_space<vmem>>
    %dma_wait3A_20 = arith.constant 0 : i32
    %dma_wait3A_21 = tpu.memref_slice %arg5[%dma_wait3A_20] : memref<40xi32, #tpu.memory_space<vmem>> -> memref<24xi32, #tpu.memory_space<vmem>>
    %dma_wait3A_22 = arith.constant 0 : i32
    %dma_wait3A_23 = arith.constant 0 : i32
    %dma_wait3A_24 = tpu.memref_slice %arg2[%dma_wait3A_22, %dma_wait3A_23] : memref<4096x1024xf32, #tpu.memory_space<hbm>> -> memref<4096x1024xf32, #tpu.memory_space<hbm>>
    tpu.wait_indirect_dma semaphore(%arg7 : memref<!tpu.dma_semaphore, #tpu.memory_space<semaphore_mem>>) src(%dma_wait3A_24 : memref<4096x1024xf32, #tpu.memory_space<hbm>>) dst(%dma_wait3A_19 : memref<24x1024xf32, #tpu.memory_space<vmem>>)
    %dma_start3A_25 = arith.constant 0 : i32
    %dma_start3A_26 = arith.constant 0 : i32
    %dma_start3A_27 = tpu.memref_slice %arg6[%dma_start3A_25, %dma_start3A_26] : memref<40x1024xf32, #tpu.memory_space<vmem>> -> memref<24x1024xf32, #tpu.memory_space<vmem>>
    %dma_start3A_28 = arith.constant 0 : i32
    %dma_start3A_29 = tpu.memref_slice %arg4[%mul3A_2, %dma_start3A_28] : memref<640x1024xf32, #tpu.memory_space<hbm>> -> memref<24x1024xf32, #tpu.memory_space<hbm>>
    %dma_start3A_30 = arith.constant 0 : i32
    %dma_start3A_31 = tpu.memref_slice %arg4[%mul3A_2, %dma_start3A_30] : memref<640x1024xf32, #tpu.memory_space<hbm>> -> memref<24x1024xf32, #tpu.memory_space<hbm>>
    %dma_start3A_32 = arith.constant 0 : i32
    %dma_start3A_33 = arith.constant 0 : i32
    %dma_start3A_34 = tpu.memref_slice %arg6[%dma_start3A_32, %dma_start3A_33] : memref<40x1024xf32, #tpu.memory_space<vmem>> -> memref<24x1024xf32, #tpu.memory_space<vmem>>
    tpu.enqueue_dma source(%dma_start3A_34 : memref<24x1024xf32, #tpu.memory_space<vmem>>) target(%dma_start3A_31 : memref<24x1024xf32, #tpu.memory_space<hbm>>) target_semaphore(%arg9 : memref<!tpu.dma_semaphore, #tpu.memory_space<semaphore_mem>>)
    %dma_wait3A_35 = arith.constant 24 : i32
    %dma_wait3A_36 = arith.constant 0 : i32
    %dma_wait3A_37 = tpu.memref_slice %arg6[%dma_wait3A_35, %dma_wait3A_36] : memref<40x1024xf32, #tpu.memory_space<vmem>> -> memref<16x1024xf32, #tpu.memory_space<vmem>>
    %dma_wait3A_38 = arith.constant 24 : i32
    %dma_wait3A_39 = tpu.memref_slice %arg5[%dma_wait3A_38] : memref<40xi32, #tpu.memory_space<vmem>> -> memref<16xi32, #tpu.memory_space<vmem>>
    %dma_wait3A_40 = arith.constant 0 : i32
    %dma_wait3A_41 = arith.constant 0 : i32
    %dma_wait3A_42 = tpu.memref_slice %arg2[%dma_wait3A_40, %dma_wait3A_41] : memref<4096x1024xf32, #tpu.memory_space<hbm>> -> memref<4096x1024xf32, #tpu.memory_space<hbm>>
    tpu.wait_indirect_dma semaphore(%arg8 : memref<!tpu.dma_semaphore, #tpu.memory_space<semaphore_mem>>) src(%dma_wait3A_42 : memref<4096x1024xf32, #tpu.memory_space<hbm>>) dst(%dma_wait3A_37 : memref<16x1024xf32, #tpu.memory_space<vmem>>)
    %add3A_43 = arith.constant 24 : i32
    %add3A_44 = arith.addi %mul3A_2, %add3A_43 : i32
    "tpu.region"() ({
      %run_scoped3A = tpu.sem_alloc : memref<!tpu.dma_semaphore, #tpu.memory_space<semaphore_mem>>
      %dma_start3A_55 = arith.constant 24 : i32
      %dma_start3A_56 = arith.constant 0 : i32
      %dma_start3A_57 = tpu.memref_slice %arg6[%dma_start3A_55, %dma_start3A_56] : memref<40x1024xf32, #tpu.memory_space<vmem>> -> memref<16x1024xf32, #tpu.memory_space<vmem>>
      %dma_start3A_58 = arith.constant 0 : i32
      %dma_start3A_59 = tpu.memref_slice %arg4[%add3A_44, %dma_start3A_58] : memref<640x1024xf32, #tpu.memory_space<hbm>> -> memref<16x1024xf32, #tpu.memory_space<hbm>>
      %dma_start3A_60 = arith.constant 0 : i32
      %dma_start3A_61 = tpu.memref_slice %arg4[%add3A_44, %dma_start3A_60] : memref<640x1024xf32, #tpu.memory_space<hbm>> -> memref<16x1024xf32, #tpu.memory_space<hbm>>
      %dma_start3A_62 = arith.constant 24 : i32
      %dma_start3A_63 = arith.constant 0 : i32
      %dma_start3A_64 = tpu.memref_slice %arg6[%dma_start3A_62, %dma_start3A_63] : memref<40x1024xf32, #tpu.memory_space<vmem>> -> memref<16x1024xf32, #tpu.memory_space<vmem>>
      tpu.enqueue_dma source(%dma_start3A_64 : memref<16x1024xf32, #tpu.memory_space<vmem>>) target(%dma_start3A_61 : memref<16x1024xf32, #tpu.memory_space<hbm>>) target_semaphore(%run_scoped3A : memref<!tpu.dma_semaphore, #tpu.memory_space<semaphore_mem>>)
      %dma_wait3A_65 = arith.constant 24 : i32
      %dma_wait3A_66 = arith.constant 0 : i32
      %dma_wait3A_67 = tpu.memref_slice %arg6[%dma_wait3A_65, %dma_wait3A_66] : memref<40x1024xf32, #tpu.memory_space<vmem>> -> memref<16x1024xf32, #tpu.memory_space<vmem>>
      %dma_wait3A_68 = arith.constant 0 : i32
      %dma_wait3A_69 = tpu.memref_slice %arg4[%add3A_44, %dma_wait3A_68] : memref<640x1024xf32, #tpu.memory_space<hbm>> -> memref<16x1024xf32, #tpu.memory_space<hbm>>
      %dma_wait3A_70 = arith.constant 0 : i32
      %dma_wait3A_71 = tpu.memref_slice %arg4[%add3A_44, %dma_wait3A_70] : memref<640x1024xf32, #tpu.memory_space<hbm>> -> memref<16x1024xf32, #tpu.memory_space<hbm>>
      %dma_wait3A_72 = arith.constant 24 : i32
      %dma_wait3A_73 = arith.constant 0 : i32
      %dma_wait3A_74 = tpu.memref_slice %arg6[%dma_wait3A_72, %dma_wait3A_73] : memref<40x1024xf32, #tpu.memory_space<vmem>> -> memref<16x1024xf32, #tpu.memory_space<vmem>>
      tpu.wait_dma2 semaphore(%run_scoped3A : memref<!tpu.dma_semaphore, #tpu.memory_space<semaphore_mem>>) src(%dma_wait3A_74 : memref<16x1024xf32, #tpu.memory_space<vmem>>) dst(%dma_wait3A_71 : memref<16x1024xf32, #tpu.memory_space<hbm>>)
      tpu.yield
    }) : () -> ()
    %dma_wait3A_45 = arith.constant 0 : i32
    %dma_wait3A_46 = arith.constant 0 : i32
    %dma_wait3A_47 = tpu.memref_slice %arg6[%dma_wait3A_45, %dma_wait3A_46] : memref<40x1024xf32, #tpu.memory_space<vmem>> -> memref<24x1024xf32, #tpu.memory_space<vmem>>
    %dma_wait3A_48 = arith.constant 0 : i32
    %dma_wait3A_49 = tpu.memref_slice %arg4[%mul3A_2, %dma_wait3A_48] : memref<640x1024xf32, #tpu.memory_space<hbm>> -> memref<24x1024xf32, #tpu.memory_space<hbm>>
    %dma_wait3A_50 = arith.constant 0 : i32
    %dma_wait3A_51 = tpu.memref_slice %arg4[%mul3A_2, %dma_wait3A_50] : memref<640x1024xf32, #tpu.memory_space<hbm>> -> memref<24x1024xf32, #tpu.memory_space<hbm>>
    %dma_wait3A_52 = arith.constant 0 : i32
    %dma_wait3A_53 = arith.constant 0 : i32
    %dma_wait3A_54 = tpu.memref_slice %arg6[%dma_wait3A_52, %dma_wait3A_53] : memref<40x1024xf32, #tpu.memory_space<vmem>> -> memref<24x1024xf32, #tpu.memory_space<vmem>>
    tpu.wait_dma2 semaphore(%arg9 : memref<!tpu.dma_semaphore, #tpu.memory_space<semaphore_mem>>) src(%dma_wait3A_54 : memref<24x1024xf32, #tpu.memory_space<vmem>>) dst(%dma_wait3A_51 : memref<24x1024xf32, #tpu.memory_space<hbm>>)
    return
  }
}

module attributes {stable_mosaic.version = 14 : i64} {
  func.func @_select_body(%arg0: i32, %arg1: memref<64x1024xf32, #tpu.memory_space<vmem>>, %arg2: memref<1024x1024xf32, #tpu.memory_space<vmem>>, %arg3: memref<64x4096xf32, #tpu.memory_space<vmem>>, %arg4: memref<64x10xi32, #tpu.memory_space<vmem>>, %arg5: memref<64x10xf32, #tpu.memory_space<vmem>>, %arg6: memref<64x4096xf32, #tpu.memory_space<vmem>>, %arg7: memref<64x32xi32, #tpu.memory_space<vmem>>) attributes {dimension_semantics = [#tpu.dimension_semantics<arbitrary>], iteration_bounds = array<i64: 4>, scalar_prefetch = 0 : i64, scratch_operands = 2 : i64, tpu.core_type = #tpu.core_type<tc>, window_params = [{pipeline_mode = #tpu.pipeline_mode<synchronous>, transform_indices = @transform_0, window_bounds = array<i64: 64, 1024>}, {transform_indices = @transform_1, window_bounds = array<i64: 1024, 1024>}, {pipeline_mode = #tpu.pipeline_mode<synchronous>, transform_indices = @transform_2, window_bounds = array<i64: 64, 4096>}, {pipeline_mode = #tpu.pipeline_mode<synchronous>, transform_indices = @transform_3, window_bounds = array<i64: 64, 10>}, {pipeline_mode = #tpu.pipeline_mode<synchronous>, transform_indices = @transform_4, window_bounds = array<i64: 64, 10>}]} {
    %get3A = arith.constant 0 : index
    %get3A_0 = arith.constant 0 : index
    %get3A_1 = vector.load %arg1[%get3A, %get3A_0] : memref<64x1024xf32, #tpu.memory_space<vmem>>, vector<64x1024xf32>
    %get3A_2 = arith.constant 0 : index
    %get3A_3 = arith.constant 0 : index
    %get3A_4 = vector.load %arg2[%get3A_2, %get3A_3] : memref<1024x1024xf32, #tpu.memory_space<vmem>>, vector<1024x1024xf32>
    %dot_general3A = arith.constant dense<0.000000e+00> : vector<64x1024xf32>
    %dot_general3A_5 = tpu.matmul %get3A_1, %get3A_4, %dot_general3A {dimension_numbers = #tpu.dot_dimension_numbers<[1], [0], [0], [1], [0, 0, 1, 1], [], []>, transpose_lhs_hint = false} : vector<64x1024xf32>, vector<1024x1024xf32>, vector<64x1024xf32> -> vector<64x1024xf32>
    %mul3A = arith.constant 1024 : i32
    %mul3A_6 = arith.muli %arg0, %mul3A : i32
    %multiple_of3A = tpu.assume_multiple %mul3A_6, 1024 : i32
    %swap3A = arith.constant 0 : index
    %swap3A_7 = arith.index_cast %multiple_of3A : i32 to index
    %swap3A_8 = vector.load %arg6[%swap3A, %swap3A_7] : memref<64x4096xf32, #tpu.memory_space<vmem>>, vector<64x1024xf32>
    tpu.vector_store %arg6[%swap3A, %swap3A_7], %dot_general3A_5 {strides = array<i32>} : memref<64x4096xf32, #tpu.memory_space<vmem>>, vector<64x1024xf32>,
    %iota3A = tpu.iota {dimensions = array<i32: 1>} : vector<64x1024xi32>
    %iota3A_9 = tpu.iota {dimensions = array<i32: 1>} : vector<64x32xi32>
    %mul3A_10 = arith.constant 1024 : i32
    %mul3A_11 = arith.muli %arg0, %mul3A_10 : i32
    %add3A = vector.broadcast %mul3A_11 : i32 to vector<64x1024xi32>
    %add3A_12 = arith.addi %iota3A, %add3A : vector<64x1024xi32>
    %bitcast_convert_type3A = tpu.bitcast %dot_general3A_5 : vector<64x1024xf32> -> vector<64x1024xi32>
    %lt3A = arith.constant 0 : i32
    %lt3A_13 = vector.broadcast %lt3A : i32 to vector<64x1024xi32>
    %lt3A_14 = arith.cmpi slt, %bitcast_convert_type3A, %lt3A_13 : vector<64x1024xi32>
    %xor3A = arith.constant 2147483647 : i32
    %xor3A_15 = vector.broadcast %xor3A : i32 to vector<64x1024xi32>
    %xor3A_16 = arith.xori %bitcast_convert_type3A, %xor3A_15 : vector<64x1024xi32>
    %select_n3A = arith.select %lt3A_14, %xor3A_16, %bitcast_convert_type3A : vector<64x1024xi1>, vector<64x1024xi32>
    %and3A = arith.constant -4096 : i32
    %and3A_17 = vector.broadcast %and3A : i32 to vector<64x1024xi32>
    %and3A_18 = arith.andi %select_n3A, %and3A_17 : vector<64x1024xi32>
    %sub3A = arith.constant 4095 : i32
    %sub3A_19 = vector.broadcast %sub3A : i32 to vector<64x1024xi32>
    %sub3A_20 = arith.subi %sub3A_19, %add3A_12 : vector<64x1024xi32>
    %or3A = arith.ori %and3A_18, %sub3A_20 : vector<64x1024xi32>
    %broadcast_in_dim3A = arith.constant 0 : i32
    %broadcast_in_dim3A_21 = vector.broadcast %broadcast_in_dim3A : i32 to vector<64x32xi32>
    %reduce_max3A = arith.constant dense<-2147483648> : vector<64xi32>
    %reduce_max3A_22 = vector.multi_reduction <maxsi>, %or3A, %reduce_max3A [1] : vector<64x1024xi32> to vector<64xi32>
    %broadcast_in_dim3A_23 = vector.shape_cast %reduce_max3A_22 : vector<64xi32> to vector<64x1xi32>
    %eq3A = vector.broadcast %broadcast_in_dim3A_23 : vector<64x1xi32> to vector<64x1024xi32>
    %eq3A_24 = arith.cmpi eq, %or3A, %eq3A : vector<64x1024xi32>
    %jit3A = arith.constant -2147483648 : i32
    %broadcast_in_dim3A_25 = vector.broadcast %jit3A : i32 to vector<64x1024xi32>
    %select_n3A_26 = arith.select %eq3A_24, %broadcast_in_dim3A_25, %or3A : vector<64x1024xi1>, vector<64x1024xi32>
    %mul3A_27 = arith.constant 8 : i32
    %mul3A_28 = arith.muli %arg0, %mul3A_27 : i32
    %add3A_29 = arith.constant 0 : i32
    %add3A_30 = arith.addi %mul3A_28, %add3A_29 : i32
    %eq3A_31 = vector.broadcast %add3A_30 : i32 to vector<64x32xi32>
    %eq3A_32 = arith.cmpi eq, %iota3A_9, %eq3A_31 : vector<64x32xi32>
    %broadcast_in_dim3A_33 = vector.shape_cast %broadcast_in_dim3A_23 : vector<64x1xi32> to vector<64x1xi32>
    %broadcast_in_dim3A_34 = vector.broadcast %broadcast_in_dim3A_33 : vector<64x1xi32> to vector<64x32xi32>
    %select_n3A_35 = arith.select %eq3A_32, %broadcast_in_dim3A_34, %broadcast_in_dim3A_21 : vector<64x32xi1>, vector<64x32xi32>
    %reduce_max3A_36 = arith.constant dense<-2147483648> : vector<64xi32>
    %reduce_max3A_37 = vector.multi_reduction <maxsi>, %select_n3A_26, %reduce_max3A_36 [1] : vector<64x1024xi32> to vector<64xi32>
    %broadcast_in_dim3A_38 = vector.shape_cast %reduce_max3A_37 : vector<64xi32> to vector<64x1xi32>
    %eq3A_39 = vector.broadcast %broadcast_in_dim3A_38 : vector<64x1xi32> to vector<64x1024xi32>
    %eq3A_40 = arith.cmpi eq, %select_n3A_26, %eq3A_39 : vector<64x1024xi32>
    %jit3A_41 = arith.constant -2147483648 : i32
    %broadcast_in_dim3A_42 = vector.broadcast %jit3A_41 : i32 to vector<64x1024xi32>
    %select_n3A_43 = arith.select %eq3A_40, %broadcast_in_dim3A_42, %select_n3A_26 : vector<64x1024xi1>, vector<64x1024xi32>
    %mul3A_44 = arith.constant 8 : i32
    %mul3A_45 = arith.muli %arg0, %mul3A_44 : i32
    %add3A_46 = arith.constant 1 : i32
    %add3A_47 = arith.addi %mul3A_45, %add3A_46 : i32
    %eq3A_48 = vector.broadcast %add3A_47 : i32 to vector<64x32xi32>
    %eq3A_49 = arith.cmpi eq, %iota3A_9, %eq3A_48 : vector<64x32xi32>
    %broadcast_in_dim3A_50 = vector.shape_cast %broadcast_in_dim3A_38 : vector<64x1xi32> to vector<64x1xi32>
    %broadcast_in_dim3A_51 = vector.broadcast %broadcast_in_dim3A_50 : vector<64x1xi32> to vector<64x32xi32>
    %select_n3A_52 = arith.select %eq3A_49, %broadcast_in_dim3A_51, %select_n3A_35 : vector<64x32xi1>, vector<64x32xi32>
    %reduce_max3A_53 = arith.constant dense<-2147483648> : vector<64xi32>
    %reduce_max3A_54 = vector.multi_reduction <maxsi>, %select_n3A_43, %reduce_max3A_53 [1] : vector<64x1024xi32> to vector<64xi32>
    %broadcast_in_dim3A_55 = vector.shape_cast %reduce_max3A_54 : vector<64xi32> to vector<64x1xi32>
    %eq3A_56 = vector.broadcast %broadcast_in_dim3A_55 : vector<64x1xi32> to vector<64x1024xi32>
    %eq3A_57 = arith.cmpi eq, %select_n3A_43, %eq3A_56 : vector<64x1024xi32>
    %jit3A_58 = arith.constant -2147483648 : i32
    %broadcast_in_dim3A_59 = vector.broadcast %jit3A_58 : i32 to vector<64x1024xi32>
    %select_n3A_60 = arith.select %eq3A_57, %broadcast_in_dim3A_59, %select_n3A_43 : vector<64x1024xi1>, vector<64x1024xi32>
    %mul3A_61 = arith.constant 8 : i32
    %mul3A_62 = arith.muli %arg0, %mul3A_61 : i32
    %add3A_63 = arith.constant 2 : i32
    %add3A_64 = arith.addi %mul3A_62, %add3A_63 : i32
    %eq3A_65 = vector.broadcast %add3A_64 : i32 to vector<64x32xi32>
    %eq3A_66 = arith.cmpi eq, %iota3A_9, %eq3A_65 : vector<64x32xi32>
    %broadcast_in_dim3A_67 = vector.shape_cast %broadcast_in_dim3A_55 : vector<64x1xi32> to vector<64x1xi32>
    %broadcast_in_dim3A_68 = vector.broadcast %broadcast_in_dim3A_67 : vector<64x1xi32> to vector<64x32xi32>
    %select_n3A_69 = arith.select %eq3A_66, %broadcast_in_dim3A_68, %select_n3A_52 : vector<64x32xi1>, vector<64x32xi32>
    %reduce_max3A_70 = arith.constant dense<-2147483648> : vector<64xi32>
    %reduce_max3A_71 = vector.multi_reduction <maxsi>, %select_n3A_60, %reduce_max3A_70 [1] : vector<64x1024xi32> to vector<64xi32>
    %broadcast_in_dim3A_72 = vector.shape_cast %reduce_max3A_71 : vector<64xi32> to vector<64x1xi32>
    %eq3A_73 = vector.broadcast %broadcast_in_dim3A_72 : vector<64x1xi32> to vector<64x1024xi32>
    %eq3A_74 = arith.cmpi eq, %select_n3A_60, %eq3A_73 : vector<64x1024xi32>
    %jit3A_75 = arith.constant -2147483648 : i32
    %broadcast_in_dim3A_76 = vector.broadcast %jit3A_75 : i32 to vector<64x1024xi32>
    %select_n3A_77 = arith.select %eq3A_74, %broadcast_in_dim3A_76, %select_n3A_60 : vector<64x1024xi1>, vector<64x1024xi32>
    %mul3A_78 = arith.constant 8 : i32
    %mul3A_79 = arith.muli %arg0, %mul3A_78 : i32
    %add3A_80 = arith.constant 3 : i32
    %add3A_81 = arith.addi %mul3A_79, %add3A_80 : i32
    %eq3A_82 = vector.broadcast %add3A_81 : i32 to vector<64x32xi32>
    %eq3A_83 = arith.cmpi eq, %iota3A_9, %eq3A_82 : vector<64x32xi32>
    %broadcast_in_dim3A_84 = vector.shape_cast %broadcast_in_dim3A_72 : vector<64x1xi32> to vector<64x1xi32>
    %broadcast_in_dim3A_85 = vector.broadcast %broadcast_in_dim3A_84 : vector<64x1xi32> to vector<64x32xi32>
    %select_n3A_86 = arith.select %eq3A_83, %broadcast_in_dim3A_85, %select_n3A_69 : vector<64x32xi1>, vector<64x32xi32>
    %reduce_max3A_87 = arith.constant dense<-2147483648> : vector<64xi32>
    %reduce_max3A_88 = vector.multi_reduction <maxsi>, %select_n3A_77, %reduce_max3A_87 [1] : vector<64x1024xi32> to vector<64xi32>
    %broadcast_in_dim3A_89 = vector.shape_cast %reduce_max3A_88 : vector<64xi32> to vector<64x1xi32>
    %eq3A_90 = vector.broadcast %broadcast_in_dim3A_89 : vector<64x1xi32> to vector<64x1024xi32>
    %eq3A_91 = arith.cmpi eq, %select_n3A_77, %eq3A_90 : vector<64x1024xi32>
    %jit3A_92 = arith.constant -2147483648 : i32
    %broadcast_in_dim3A_93 = vector.broadcast %jit3A_92 : i32 to vector<64x1024xi32>
    %select_n3A_94 = arith.select %eq3A_91, %broadcast_in_dim3A_93, %select_n3A_77 : vector<64x1024xi1>, vector<64x1024xi32>
    %mul3A_95 = arith.constant 8 : i32
    %mul3A_96 = arith.muli %arg0, %mul3A_95 : i32
    %add3A_97 = arith.constant 4 : i32
    %add3A_98 = arith.addi %mul3A_96, %add3A_97 : i32
    %eq3A_99 = vector.broadcast %add3A_98 : i32 to vector<64x32xi32>
    %eq3A_100 = arith.cmpi eq, %iota3A_9, %eq3A_99 : vector<64x32xi32>
    %broadcast_in_dim3A_101 = vector.shape_cast %broadcast_in_dim3A_89 : vector<64x1xi32> to vector<64x1xi32>
    %broadcast_in_dim3A_102 = vector.broadcast %broadcast_in_dim3A_101 : vector<64x1xi32> to vector<64x32xi32>
    %select_n3A_103 = arith.select %eq3A_100, %broadcast_in_dim3A_102, %select_n3A_86 : vector<64x32xi1>, vector<64x32xi32>
    %reduce_max3A_104 = arith.constant dense<-2147483648> : vector<64xi32>
    %reduce_max3A_105 = vector.multi_reduction <maxsi>, %select_n3A_94, %reduce_max3A_104 [1] : vector<64x1024xi32> to vector<64xi32>
    %broadcast_in_dim3A_106 = vector.shape_cast %reduce_max3A_105 : vector<64xi32> to vector<64x1xi32>
    %eq3A_107 = vector.broadcast %broadcast_in_dim3A_106 : vector<64x1xi32> to vector<64x1024xi32>
    %eq3A_108 = arith.cmpi eq, %select_n3A_94, %eq3A_107 : vector<64x1024xi32>
    %jit3A_109 = arith.constant -2147483648 : i32
    %broadcast_in_dim3A_110 = vector.broadcast %jit3A_109 : i32 to vector<64x1024xi32>
    %select_n3A_111 = arith.select %eq3A_108, %broadcast_in_dim3A_110, %select_n3A_94 : vector<64x1024xi1>, vector<64x1024xi32>
    %mul3A_112 = arith.constant 8 : i32
    %mul3A_113 = arith.muli %arg0, %mul3A_112 : i32
    %add3A_114 = arith.constant 5 : i32
    %add3A_115 = arith.addi %mul3A_113, %add3A_114 : i32
    %eq3A_116 = vector.broadcast %add3A_115 : i32 to vector<64x32xi32>
    %eq3A_117 = arith.cmpi eq, %iota3A_9, %eq3A_116 : vector<64x32xi32>
    %broadcast_in_dim3A_118 = vector.shape_cast %broadcast_in_dim3A_106 : vector<64x1xi32> to vector<64x1xi32>
    %broadcast_in_dim3A_119 = vector.broadcast %broadcast_in_dim3A_118 : vector<64x1xi32> to vector<64x32xi32>
    %select_n3A_120 = arith.select %eq3A_117, %broadcast_in_dim3A_119, %select_n3A_103 : vector<64x32xi1>, vector<64x32xi32>
    %reduce_max3A_121 = arith.constant dense<-2147483648> : vector<64xi32>
    %reduce_max3A_122 = vector.multi_reduction <maxsi>, %select_n3A_111, %reduce_max3A_121 [1] : vector<64x1024xi32> to vector<64xi32>
    %broadcast_in_dim3A_123 = vector.shape_cast %reduce_max3A_122 : vector<64xi32> to vector<64x1xi32>
    %eq3A_124 = vector.broadcast %broadcast_in_dim3A_123 : vector<64x1xi32> to vector<64x1024xi32>
    %eq3A_125 = arith.cmpi eq, %select_n3A_111, %eq3A_124 : vector<64x1024xi32>
    %jit3A_126 = arith.constant -2147483648 : i32
    %broadcast_in_dim3A_127 = vector.broadcast %jit3A_126 : i32 to vector<64x1024xi32>
    %select_n3A_128 = arith.select %eq3A_125, %broadcast_in_dim3A_127, %select_n3A_111 : vector<64x1024xi1>, vector<64x1024xi32>
    %mul3A_129 = arith.constant 8 : i32
    %mul3A_130 = arith.muli %arg0, %mul3A_129 : i32
    %add3A_131 = arith.constant 6 : i32
    %add3A_132 = arith.addi %mul3A_130, %add3A_131 : i32
    %eq3A_133 = vector.broadcast %add3A_132 : i32 to vector<64x32xi32>
    %eq3A_134 = arith.cmpi eq, %iota3A_9, %eq3A_133 : vector<64x32xi32>
    %broadcast_in_dim3A_135 = vector.shape_cast %broadcast_in_dim3A_123 : vector<64x1xi32> to vector<64x1xi32>
    %broadcast_in_dim3A_136 = vector.broadcast %broadcast_in_dim3A_135 : vector<64x1xi32> to vector<64x32xi32>
    %select_n3A_137 = arith.select %eq3A_134, %broadcast_in_dim3A_136, %select_n3A_120 : vector<64x32xi1>, vector<64x32xi32>
    %reduce_max3A_138 = arith.constant dense<-2147483648> : vector<64xi32>
    %reduce_max3A_139 = vector.multi_reduction <maxsi>, %select_n3A_128, %reduce_max3A_138 [1] : vector<64x1024xi32> to vector<64xi32>
    %broadcast_in_dim3A_140 = vector.shape_cast %reduce_max3A_139 : vector<64xi32> to vector<64x1xi32>
    %mul3A_141 = arith.constant 8 : i32
    %mul3A_142 = arith.muli %arg0, %mul3A_141 : i32
    %add3A_143 = arith.constant 7 : i32
    %add3A_144 = arith.addi %mul3A_142, %add3A_143 : i32
    %eq3A_145 = vector.broadcast %add3A_144 : i32 to vector<64x32xi32>
    %eq3A_146 = arith.cmpi eq, %iota3A_9, %eq3A_145 : vector<64x32xi32>
    %broadcast_in_dim3A_147 = vector.shape_cast %broadcast_in_dim3A_140 : vector<64x1xi32> to vector<64x1xi32>
    %broadcast_in_dim3A_148 = vector.broadcast %broadcast_in_dim3A_147 : vector<64x1xi32> to vector<64x32xi32>
    %select_n3A_149 = arith.select %eq3A_146, %broadcast_in_dim3A_148, %select_n3A_137 : vector<64x32xi1>, vector<64x32xi32>
    %mul3A_150 = arith.constant 8 : i32
    %mul3A_151 = arith.muli %arg0, %mul3A_150 : i32
    %ge3A = vector.broadcast %mul3A_151 : i32 to vector<64x32xi32>
    %ge3A_152 = arith.cmpi sge, %iota3A_9, %ge3A : vector<64x32xi32>
    %add3A_153 = arith.constant 1 : i32
    %add3A_154 = arith.addi %arg0, %add3A_153 : i32
    %mul3A_155 = arith.constant 8 : i32
    %mul3A_156 = arith.muli %add3A_154, %mul3A_155 : i32
    %lt3A_157 = vector.broadcast %mul3A_156 : i32 to vector<64x32xi32>
    %lt3A_158 = arith.cmpi slt, %iota3A_9, %lt3A_157 : vector<64x32xi32>
    %and3A_159 = arith.andi %ge3A_152, %lt3A_158 : vector<64x32xi1>
    %get3A_160 = arith.constant 0 : index
    %get3A_161 = arith.constant 0 : index
    %get3A_162 = vector.load %arg7[%get3A_160, %get3A_161] : memref<64x32xi32, #tpu.memory_space<vmem>>, vector<64x32xi32>
    %select_n3A_163 = arith.select %and3A_159, %select_n3A_149, %get3A_162 : vector<64x32xi1>, vector<64x32xi32>
    %swap3A_164 = arith.constant 0 : index
    %swap3A_165 = arith.constant 0 : index
    %swap3A_166 = vector.load %arg7[%swap3A_164, %swap3A_165] : memref<64x32xi32, #tpu.memory_space<vmem>>, vector<64x32xi32>
    tpu.vector_store %arg7[%swap3A_164, %swap3A_165], %select_n3A_163 {strides = array<i32>} : memref<64x32xi32, #tpu.memory_space<vmem>>, vector<64x32xi32>,
    %eq3A_167 = arith.constant 3 : i32
    %eq3A_168 = arith.cmpi eq, %arg0, %eq3A_167 : i32
    %convert_element_type3A = arith.extui %eq3A_168 : i1 to i32
    %cond3A = arith.constant 0 : i32
    %cond3A_169 = arith.cmpi ne, %convert_element_type3A, %cond3A : i32
    scf.if %cond3A_169 {
      %get3A_170 = arith.constant 0 : index
      %get3A_171 = arith.constant 0 : index
      %get3A_172 = vector.load %arg6[%get3A_170, %get3A_171] : memref<64x4096xf32, #tpu.memory_space<vmem>>, vector<64x4096xf32>
      %reduce_max3A_173 = arith.constant dense<0xFF800000> : vector<64xf32>
      %reduce_max3A_174 = vector.multi_reduction <maximumf>, %get3A_172, %reduce_max3A_173 [1] : vector<64x4096xf32> to vector<64xf32>
      %broadcast_in_dim3A_175 = vector.shape_cast %reduce_max3A_174 : vector<64xf32> to vector<64x1xf32>
      %sub3A_176 = vector.broadcast %broadcast_in_dim3A_175 : vector<64x1xf32> to vector<64x4096xf32>
      %sub3A_177 = arith.subf %get3A_172, %sub3A_176 : vector<64x4096xf32>
      %exp3A = math.exp %sub3A_177 : vector<64x4096xf32>
      %reduce_sum3A = arith.constant dense<0.000000e+00> : vector<64xf32>
      %reduce_sum3A_178 = vector.multi_reduction <add>, %exp3A, %reduce_sum3A [1] : vector<64x4096xf32> to vector<64xf32>
      %broadcast_in_dim3A_179 = vector.shape_cast %reduce_sum3A_178 : vector<64xf32> to vector<64x1xf32>
      %log3A = math.log %broadcast_in_dim3A_179 : vector<64x1xf32>
      %get3A_180 = arith.constant 0 : index
      %get3A_181 = arith.constant 0 : index
      %get3A_182 = vector.load %arg7[%get3A_180, %get3A_181] : memref<64x32xi32, #tpu.memory_space<vmem>>, vector<64x32xi32>
      %reduce_max3A_183 = arith.constant dense<-2147483648> : vector<64xi32>
      %reduce_max3A_184 = vector.multi_reduction <maxsi>, %get3A_182, %reduce_max3A_183 [1] : vector<64x32xi32> to vector<64xi32>
      %broadcast_in_dim3A_185 = vector.shape_cast %reduce_max3A_184 : vector<64xi32> to vector<64x1xi32>
      %eq3A_186 = vector.broadcast %broadcast_in_dim3A_185 : vector<64x1xi32> to vector<64x32xi32>
      %eq3A_187 = arith.cmpi eq, %get3A_182, %eq3A_186 : vector<64x32xi32>
      %jit3A_188 = arith.constant -2147483648 : i32
      %broadcast_in_dim3A_189 = vector.broadcast %jit3A_188 : i32 to vector<64x32xi32>
      %select_n3A_190 = arith.select %eq3A_187, %broadcast_in_dim3A_189, %get3A_182 : vector<64x32xi1>, vector<64x32xi32>
      %and3A_191 = arith.constant 4095 : i32
      %and3A_192 = vector.broadcast %and3A_191 : i32 to vector<64x1xi32>
      %and3A_193 = arith.andi %broadcast_in_dim3A_185, %and3A_192 : vector<64x1xi32>
      %sub3A_194 = arith.constant 4095 : i32
      %sub3A_195 = vector.broadcast %sub3A_194 : i32 to vector<64x1xi32>
      %sub3A_196 = arith.subi %sub3A_195, %and3A_193 : vector<64x1xi32>
      %and3A_197 = arith.constant -4096 : i32
      %and3A_198 = vector.broadcast %and3A_197 : i32 to vector<64x1xi32>
      %and3A_199 = arith.andi %broadcast_in_dim3A_185, %and3A_198 : vector<64x1xi32>
      %lt3A_200 = arith.constant 0 : i32
      %lt3A_201 = vector.broadcast %lt3A_200 : i32 to vector<64x1xi32>
      %lt3A_202 = arith.cmpi slt, %and3A_199, %lt3A_201 : vector<64x1xi32>
      %xor3A_203 = arith.constant 2147483647 : i32
      %xor3A_204 = vector.broadcast %xor3A_203 : i32 to vector<64x1xi32>
      %xor3A_205 = arith.xori %and3A_199, %xor3A_204 : vector<64x1xi32>
      %select_n3A_206 = arith.select %lt3A_202, %xor3A_205, %and3A_199 : vector<64x1xi1>, vector<64x1xi32>
      %bitcast_convert_type3A_207 = tpu.bitcast %select_n3A_206 : vector<64x1xi32> -> vector<64x1xf32>
      %sub3A_208 = arith.subf %bitcast_convert_type3A_207, %broadcast_in_dim3A_175 : vector<64x1xf32>
      %exp3A_209 = math.exp %sub3A_208 : vector<64x1xf32>
      %div3A = arith.divf %exp3A_209, %broadcast_in_dim3A_179 : vector<64x1xf32>
      %sub3A_210 = arith.subf %bitcast_convert_type3A_207, %broadcast_in_dim3A_175 : vector<64x1xf32>
      %sub3A_211 = arith.subf %sub3A_210, %log3A : vector<64x1xf32>
      %add3A_212 = arith.constant 1.000000e+00 : f32
      %add3A_213 = vector.broadcast %add3A_212 : f32 to vector<64x1xf32>
      %add3A_214 = arith.addf %add3A_213, %sub3A_211 : vector<64x1xf32>
      %mul3A_215 = arith.mulf %add3A_214, %div3A : vector<64x1xf32>
      %reduce_max3A_216 = arith.constant dense<-2147483648> : vector<64xi32>
      %reduce_max3A_217 = vector.multi_reduction <maxsi>, %select_n3A_190, %reduce_max3A_216 [1] : vector<64x32xi32> to vector<64xi32>
      %broadcast_in_dim3A_218 = vector.shape_cast %reduce_max3A_217 : vector<64xi32> to vector<64x1xi32>
      %eq3A_219 = vector.broadcast %broadcast_in_dim3A_218 : vector<64x1xi32> to vector<64x32xi32>
      %eq3A_220 = arith.cmpi eq, %select_n3A_190, %eq3A_219 : vector<64x32xi32>
      %jit3A_221 = arith.constant -2147483648 : i32
      %broadcast_in_dim3A_222 = vector.broadcast %jit3A_221 : i32 to vector<64x32xi32>
      %select_n3A_223 = arith.select %eq3A_220, %broadcast_in_dim3A_222, %select_n3A_190 : vector<64x32xi1>, vector<64x32xi32>
      %and3A_224 = arith.constant 4095 : i32
      %and3A_225 = vector.broadcast %and3A_224 : i32 to vector<64x1xi32>
      %and3A_226 = arith.andi %broadcast_in_dim3A_218, %and3A_225 : vector<64x1xi32>
      %sub3A_227 = arith.constant 4095 : i32
      %sub3A_228 = vector.broadcast %sub3A_227 : i32 to vector<64x1xi32>
      %sub3A_229 = arith.subi %sub3A_228, %and3A_226 : vector<64x1xi32>
      %and3A_230 = arith.constant -4096 : i32
      %and3A_231 = vector.broadcast %and3A_230 : i32 to vector<64x1xi32>
      %and3A_232 = arith.andi %broadcast_in_dim3A_218, %and3A_231 : vector<64x1xi32>
      %lt3A_233 = arith.constant 0 : i32
      %lt3A_234 = vector.broadcast %lt3A_233 : i32 to vector<64x1xi32>
      %lt3A_235 = arith.cmpi slt, %and3A_232, %lt3A_234 : vector<64x1xi32>
      %xor3A_236 = arith.constant 2147483647 : i32
      %xor3A_237 = vector.broadcast %xor3A_236 : i32 to vector<64x1xi32>
      %xor3A_238 = arith.xori %and3A_232, %xor3A_237 : vector<64x1xi32>
      %select_n3A_239 = arith.select %lt3A_235, %xor3A_238, %and3A_232 : vector<64x1xi1>, vector<64x1xi32>
      %bitcast_convert_type3A_240 = tpu.bitcast %select_n3A_239 : vector<64x1xi32> -> vector<64x1xf32>
      %sub3A_241 = arith.subf %bitcast_convert_type3A_240, %broadcast_in_dim3A_175 : vector<64x1xf32>
      %exp3A_242 = math.exp %sub3A_241 : vector<64x1xf32>
      %div3A_243 = arith.divf %exp3A_242, %broadcast_in_dim3A_179 : vector<64x1xf32>
      %sub3A_244 = arith.subf %bitcast_convert_type3A_240, %broadcast_in_dim3A_175 : vector<64x1xf32>
      %sub3A_245 = arith.subf %sub3A_244, %log3A : vector<64x1xf32>
      %add3A_246 = arith.constant 1.000000e+00 : f32
      %add3A_247 = vector.broadcast %add3A_246 : f32 to vector<64x1xf32>
      %add3A_248 = arith.addf %add3A_247, %sub3A_245 : vector<64x1xf32>
      %mul3A_249 = arith.mulf %add3A_248, %div3A_243 : vector<64x1xf32>
      %reduce_max3A_250 = arith.constant dense<-2147483648> : vector<64xi32>
      %reduce_max3A_251 = vector.multi_reduction <maxsi>, %select_n3A_223, %reduce_max3A_250 [1] : vector<64x32xi32> to vector<64xi32>
      %broadcast_in_dim3A_252 = vector.shape_cast %reduce_max3A_251 : vector<64xi32> to vector<64x1xi32>
      %eq3A_253 = vector.broadcast %broadcast_in_dim3A_252 : vector<64x1xi32> to vector<64x32xi32>
      %eq3A_254 = arith.cmpi eq, %select_n3A_223, %eq3A_253 : vector<64x32xi32>
      %jit3A_255 = arith.constant -2147483648 : i32
      %broadcast_in_dim3A_256 = vector.broadcast %jit3A_255 : i32 to vector<64x32xi32>
      %select_n3A_257 = arith.select %eq3A_254, %broadcast_in_dim3A_256, %select_n3A_223 : vector<64x32xi1>, vector<64x32xi32>
      %and3A_258 = arith.constant 4095 : i32
      %and3A_259 = vector.broadcast %and3A_258 : i32 to vector<64x1xi32>
      %and3A_260 = arith.andi %broadcast_in_dim3A_252, %and3A_259 : vector<64x1xi32>
      %sub3A_261 = arith.constant 4095 : i32
      %sub3A_262 = vector.broadcast %sub3A_261 : i32 to vector<64x1xi32>
      %sub3A_263 = arith.subi %sub3A_262, %and3A_260 : vector<64x1xi32>
      %and3A_264 = arith.constant -4096 : i32
      %and3A_265 = vector.broadcast %and3A_264 : i32 to vector<64x1xi32>
      %and3A_266 = arith.andi %broadcast_in_dim3A_252, %and3A_265 : vector<64x1xi32>
      %lt3A_267 = arith.constant 0 : i32
      %lt3A_268 = vector.broadcast %lt3A_267 : i32 to vector<64x1xi32>
      %lt3A_269 = arith.cmpi slt, %and3A_266, %lt3A_268 : vector<64x1xi32>
      %xor3A_270 = arith.constant 2147483647 : i32
      %xor3A_271 = vector.broadcast %xor3A_270 : i32 to vector<64x1xi32>
      %xor3A_272 = arith.xori %and3A_266, %xor3A_271 : vector<64x1xi32>
      %select_n3A_273 = arith.select %lt3A_269, %xor3A_272, %and3A_266 : vector<64x1xi1>, vector<64x1xi32>
      %bitcast_convert_type3A_274 = tpu.bitcast %select_n3A_273 : vector<64x1xi32> -> vector<64x1xf32>
      %sub3A_275 = arith.subf %bitcast_convert_type3A_274, %broadcast_in_dim3A_175 : vector<64x1xf32>
      %exp3A_276 = math.exp %sub3A_275 : vector<64x1xf32>
      %div3A_277 = arith.divf %exp3A_276, %broadcast_in_dim3A_179 : vector<64x1xf32>
      %sub3A_278 = arith.subf %bitcast_convert_type3A_274, %broadcast_in_dim3A_175 : vector<64x1xf32>
      %sub3A_279 = arith.subf %sub3A_278, %log3A : vector<64x1xf32>
      %add3A_280 = arith.constant 1.000000e+00 : f32
      %add3A_281 = vector.broadcast %add3A_280 : f32 to vector<64x1xf32>
      %add3A_282 = arith.addf %add3A_281, %sub3A_279 : vector<64x1xf32>
      %mul3A_283 = arith.mulf %add3A_282, %div3A_277 : vector<64x1xf32>
      %reduce_max3A_284 = arith.constant dense<-2147483648> : vector<64xi32>
      %reduce_max3A_285 = vector.multi_reduction <maxsi>, %select_n3A_257, %reduce_max3A_284 [1] : vector<64x32xi32> to vector<64xi32>
      %broadcast_in_dim3A_286 = vector.shape_cast %reduce_max3A_285 : vector<64xi32> to vector<64x1xi32>
      %eq3A_287 = vector.broadcast %broadcast_in_dim3A_286 : vector<64x1xi32> to vector<64x32xi32>
      %eq3A_288 = arith.cmpi eq, %select_n3A_257, %eq3A_287 : vector<64x32xi32>
      %jit3A_289 = arith.constant -2147483648 : i32
      %broadcast_in_dim3A_290 = vector.broadcast %jit3A_289 : i32 to vector<64x32xi32>
      %select_n3A_291 = arith.select %eq3A_288, %broadcast_in_dim3A_290, %select_n3A_257 : vector<64x32xi1>, vector<64x32xi32>
      %and3A_292 = arith.constant 4095 : i32
      %and3A_293 = vector.broadcast %and3A_292 : i32 to vector<64x1xi32>
      %and3A_294 = arith.andi %broadcast_in_dim3A_286, %and3A_293 : vector<64x1xi32>
      %sub3A_295 = arith.constant 4095 : i32
      %sub3A_296 = vector.broadcast %sub3A_295 : i32 to vector<64x1xi32>
      %sub3A_297 = arith.subi %sub3A_296, %and3A_294 : vector<64x1xi32>
      %and3A_298 = arith.constant -4096 : i32
      %and3A_299 = vector.broadcast %and3A_298 : i32 to vector<64x1xi32>
      %and3A_300 = arith.andi %broadcast_in_dim3A_286, %and3A_299 : vector<64x1xi32>
      %lt3A_301 = arith.constant 0 : i32
      %lt3A_302 = vector.broadcast %lt3A_301 : i32 to vector<64x1xi32>
      %lt3A_303 = arith.cmpi slt, %and3A_300, %lt3A_302 : vector<64x1xi32>
      %xor3A_304 = arith.constant 2147483647 : i32
      %xor3A_305 = vector.broadcast %xor3A_304 : i32 to vector<64x1xi32>
      %xor3A_306 = arith.xori %and3A_300, %xor3A_305 : vector<64x1xi32>
      %select_n3A_307 = arith.select %lt3A_303, %xor3A_306, %and3A_300 : vector<64x1xi1>, vector<64x1xi32>
      %bitcast_convert_type3A_308 = tpu.bitcast %select_n3A_307 : vector<64x1xi32> -> vector<64x1xf32>
      %sub3A_309 = arith.subf %bitcast_convert_type3A_308, %broadcast_in_dim3A_175 : vector<64x1xf32>
      %exp3A_310 = math.exp %sub3A_309 : vector<64x1xf32>
      %div3A_311 = arith.divf %exp3A_310, %broadcast_in_dim3A_179 : vector<64x1xf32>
      %sub3A_312 = arith.subf %bitcast_convert_type3A_308, %broadcast_in_dim3A_175 : vector<64x1xf32>
      %sub3A_313 = arith.subf %sub3A_312, %log3A : vector<64x1xf32>
      %add3A_314 = arith.constant 1.000000e+00 : f32
      %add3A_315 = vector.broadcast %add3A_314 : f32 to vector<64x1xf32>
      %add3A_316 = arith.addf %add3A_315, %sub3A_313 : vector<64x1xf32>
      %mul3A_317 = arith.mulf %add3A_316, %div3A_311 : vector<64x1xf32>
      %reduce_max3A_318 = arith.constant dense<-2147483648> : vector<64xi32>
      %reduce_max3A_319 = vector.multi_reduction <maxsi>, %select_n3A_291, %reduce_max3A_318 [1] : vector<64x32xi32> to vector<64xi32>
      %broadcast_in_dim3A_320 = vector.shape_cast %reduce_max3A_319 : vector<64xi32> to vector<64x1xi32>
      %eq3A_321 = vector.broadcast %broadcast_in_dim3A_320 : vector<64x1xi32> to vector<64x32xi32>
      %eq3A_322 = arith.cmpi eq, %select_n3A_291, %eq3A_321 : vector<64x32xi32>
      %jit3A_323 = arith.constant -2147483648 : i32
      %broadcast_in_dim3A_324 = vector.broadcast %jit3A_323 : i32 to vector<64x32xi32>
      %select_n3A_325 = arith.select %eq3A_322, %broadcast_in_dim3A_324, %select_n3A_291 : vector<64x32xi1>, vector<64x32xi32>
      %and3A_326 = arith.constant 4095 : i32
      %and3A_327 = vector.broadcast %and3A_326 : i32 to vector<64x1xi32>
      %and3A_328 = arith.andi %broadcast_in_dim3A_320, %and3A_327 : vector<64x1xi32>
      %sub3A_329 = arith.constant 4095 : i32
      %sub3A_330 = vector.broadcast %sub3A_329 : i32 to vector<64x1xi32>
      %sub3A_331 = arith.subi %sub3A_330, %and3A_328 : vector<64x1xi32>
      %and3A_332 = arith.constant -4096 : i32
      %and3A_333 = vector.broadcast %and3A_332 : i32 to vector<64x1xi32>
      %and3A_334 = arith.andi %broadcast_in_dim3A_320, %and3A_333 : vector<64x1xi32>
      %lt3A_335 = arith.constant 0 : i32
      %lt3A_336 = vector.broadcast %lt3A_335 : i32 to vector<64x1xi32>
      %lt3A_337 = arith.cmpi slt, %and3A_334, %lt3A_336 : vector<64x1xi32>
      %xor3A_338 = arith.constant 2147483647 : i32
      %xor3A_339 = vector.broadcast %xor3A_338 : i32 to vector<64x1xi32>
      %xor3A_340 = arith.xori %and3A_334, %xor3A_339 : vector<64x1xi32>
      %select_n3A_341 = arith.select %lt3A_337, %xor3A_340, %and3A_334 : vector<64x1xi1>, vector<64x1xi32>
      %bitcast_convert_type3A_342 = tpu.bitcast %select_n3A_341 : vector<64x1xi32> -> vector<64x1xf32>
      %sub3A_343 = arith.subf %bitcast_convert_type3A_342, %broadcast_in_dim3A_175 : vector<64x1xf32>
      %exp3A_344 = math.exp %sub3A_343 : vector<64x1xf32>
      %div3A_345 = arith.divf %exp3A_344, %broadcast_in_dim3A_179 : vector<64x1xf32>
      %sub3A_346 = arith.subf %bitcast_convert_type3A_342, %broadcast_in_dim3A_175 : vector<64x1xf32>
      %sub3A_347 = arith.subf %sub3A_346, %log3A : vector<64x1xf32>
      %add3A_348 = arith.constant 1.000000e+00 : f32
      %add3A_349 = vector.broadcast %add3A_348 : f32 to vector<64x1xf32>
      %add3A_350 = arith.addf %add3A_349, %sub3A_347 : vector<64x1xf32>
      %mul3A_351 = arith.mulf %add3A_350, %div3A_345 : vector<64x1xf32>
      %reduce_max3A_352 = arith.constant dense<-2147483648> : vector<64xi32>
      %reduce_max3A_353 = vector.multi_reduction <maxsi>, %select_n3A_325, %reduce_max3A_352 [1] : vector<64x32xi32> to vector<64xi32>
      %broadcast_in_dim3A_354 = vector.shape_cast %reduce_max3A_353 : vector<64xi32> to vector<64x1xi32>
      %eq3A_355 = vector.broadcast %broadcast_in_dim3A_354 : vector<64x1xi32> to vector<64x32xi32>
      %eq3A_356 = arith.cmpi eq, %select_n3A_325, %eq3A_355 : vector<64x32xi32>
      %jit3A_357 = arith.constant -2147483648 : i32
      %broadcast_in_dim3A_358 = vector.broadcast %jit3A_357 : i32 to vector<64x32xi32>
      %select_n3A_359 = arith.select %eq3A_356, %broadcast_in_dim3A_358, %select_n3A_325 : vector<64x32xi1>, vector<64x32xi32>
      %and3A_360 = arith.constant 4095 : i32
      %and3A_361 = vector.broadcast %and3A_360 : i32 to vector<64x1xi32>
      %and3A_362 = arith.andi %broadcast_in_dim3A_354, %and3A_361 : vector<64x1xi32>
      %sub3A_363 = arith.constant 4095 : i32
      %sub3A_364 = vector.broadcast %sub3A_363 : i32 to vector<64x1xi32>
      %sub3A_365 = arith.subi %sub3A_364, %and3A_362 : vector<64x1xi32>
      %and3A_366 = arith.constant -4096 : i32
      %and3A_367 = vector.broadcast %and3A_366 : i32 to vector<64x1xi32>
      %and3A_368 = arith.andi %broadcast_in_dim3A_354, %and3A_367 : vector<64x1xi32>
      %lt3A_369 = arith.constant 0 : i32
      %lt3A_370 = vector.broadcast %lt3A_369 : i32 to vector<64x1xi32>
      %lt3A_371 = arith.cmpi slt, %and3A_368, %lt3A_370 : vector<64x1xi32>
      %xor3A_372 = arith.constant 2147483647 : i32
      %xor3A_373 = vector.broadcast %xor3A_372 : i32 to vector<64x1xi32>
      %xor3A_374 = arith.xori %and3A_368, %xor3A_373 : vector<64x1xi32>
      %select_n3A_375 = arith.select %lt3A_371, %xor3A_374, %and3A_368 : vector<64x1xi1>, vector<64x1xi32>
      %bitcast_convert_type3A_376 = tpu.bitcast %select_n3A_375 : vector<64x1xi32> -> vector<64x1xf32>
      %sub3A_377 = arith.subf %bitcast_convert_type3A_376, %broadcast_in_dim3A_175 : vector<64x1xf32>
      %exp3A_378 = math.exp %sub3A_377 : vector<64x1xf32>
      %div3A_379 = arith.divf %exp3A_378, %broadcast_in_dim3A_179 : vector<64x1xf32>
      %sub3A_380 = arith.subf %bitcast_convert_type3A_376, %broadcast_in_dim3A_175 : vector<64x1xf32>
      %sub3A_381 = arith.subf %sub3A_380, %log3A : vector<64x1xf32>
      %add3A_382 = arith.constant 1.000000e+00 : f32
      %add3A_383 = vector.broadcast %add3A_382 : f32 to vector<64x1xf32>
      %add3A_384 = arith.addf %add3A_383, %sub3A_381 : vector<64x1xf32>
      %mul3A_385 = arith.mulf %add3A_384, %div3A_379 : vector<64x1xf32>
      %reduce_max3A_386 = arith.constant dense<-2147483648> : vector<64xi32>
      %reduce_max3A_387 = vector.multi_reduction <maxsi>, %select_n3A_359, %reduce_max3A_386 [1] : vector<64x32xi32> to vector<64xi32>
      %broadcast_in_dim3A_388 = vector.shape_cast %reduce_max3A_387 : vector<64xi32> to vector<64x1xi32>
      %eq3A_389 = vector.broadcast %broadcast_in_dim3A_388 : vector<64x1xi32> to vector<64x32xi32>
      %eq3A_390 = arith.cmpi eq, %select_n3A_359, %eq3A_389 : vector<64x32xi32>
      %jit3A_391 = arith.constant -2147483648 : i32
      %broadcast_in_dim3A_392 = vector.broadcast %jit3A_391 : i32 to vector<64x32xi32>
      %select_n3A_393 = arith.select %eq3A_390, %broadcast_in_dim3A_392, %select_n3A_359 : vector<64x32xi1>, vector<64x32xi32>
      %and3A_394 = arith.constant 4095 : i32
      %and3A_395 = vector.broadcast %and3A_394 : i32 to vector<64x1xi32>
      %and3A_396 = arith.andi %broadcast_in_dim3A_388, %and3A_395 : vector<64x1xi32>
      %sub3A_397 = arith.constant 4095 : i32
      %sub3A_398 = vector.broadcast %sub3A_397 : i32 to vector<64x1xi32>
      %sub3A_399 = arith.subi %sub3A_398, %and3A_396 : vector<64x1xi32>
      %and3A_400 = arith.constant -4096 : i32
      %and3A_401 = vector.broadcast %and3A_400 : i32 to vector<64x1xi32>
      %and3A_402 = arith.andi %broadcast_in_dim3A_388, %and3A_401 : vector<64x1xi32>
      %lt3A_403 = arith.constant 0 : i32
      %lt3A_404 = vector.broadcast %lt3A_403 : i32 to vector<64x1xi32>
      %lt3A_405 = arith.cmpi slt, %and3A_402, %lt3A_404 : vector<64x1xi32>
      %xor3A_406 = arith.constant 2147483647 : i32
      %xor3A_407 = vector.broadcast %xor3A_406 : i32 to vector<64x1xi32>
      %xor3A_408 = arith.xori %and3A_402, %xor3A_407 : vector<64x1xi32>
      %select_n3A_409 = arith.select %lt3A_405, %xor3A_408, %and3A_402 : vector<64x1xi1>, vector<64x1xi32>
      %bitcast_convert_type3A_410 = tpu.bitcast %select_n3A_409 : vector<64x1xi32> -> vector<64x1xf32>
      %sub3A_411 = arith.subf %bitcast_convert_type3A_410, %broadcast_in_dim3A_175 : vector<64x1xf32>
      %exp3A_412 = math.exp %sub3A_411 : vector<64x1xf32>
      %div3A_413 = arith.divf %exp3A_412, %broadcast_in_dim3A_179 : vector<64x1xf32>
      %sub3A_414 = arith.subf %bitcast_convert_type3A_410, %broadcast_in_dim3A_175 : vector<64x1xf32>
      %sub3A_415 = arith.subf %sub3A_414, %log3A : vector<64x1xf32>
      %add3A_416 = arith.constant 1.000000e+00 : f32
      %add3A_417 = vector.broadcast %add3A_416 : f32 to vector<64x1xf32>
      %add3A_418 = arith.addf %add3A_417, %sub3A_415 : vector<64x1xf32>
      %mul3A_419 = arith.mulf %add3A_418, %div3A_413 : vector<64x1xf32>
      %reduce_max3A_420 = arith.constant dense<-2147483648> : vector<64xi32>
      %reduce_max3A_421 = vector.multi_reduction <maxsi>, %select_n3A_393, %reduce_max3A_420 [1] : vector<64x32xi32> to vector<64xi32>
      %broadcast_in_dim3A_422 = vector.shape_cast %reduce_max3A_421 : vector<64xi32> to vector<64x1xi32>
      %and3A_423 = arith.constant 4095 : i32
      %and3A_424 = vector.broadcast %and3A_423 : i32 to vector<64x1xi32>
      %and3A_425 = arith.andi %broadcast_in_dim3A_422, %and3A_424 : vector<64x1xi32>
      %sub3A_426 = arith.constant 4095 : i32
      %sub3A_427 = vector.broadcast %sub3A_426 : i32 to vector<64x1xi32>
      %sub3A_428 = arith.subi %sub3A_427, %and3A_425 : vector<64x1xi32>
      %and3A_429 = arith.constant -4096 : i32
      %and3A_430 = vector.broadcast %and3A_429 : i32 to vector<64x1xi32>
      %and3A_431 = arith.andi %broadcast_in_dim3A_422, %and3A_430 : vector<64x1xi32>
      %lt3A_432 = arith.constant 0 : i32
      %lt3A_433 = vector.broadcast %lt3A_432 : i32 to vector<64x1xi32>
      %lt3A_434 = arith.cmpi slt, %and3A_431, %lt3A_433 : vector<64x1xi32>
      %xor3A_435 = arith.constant 2147483647 : i32
      %xor3A_436 = vector.broadcast %xor3A_435 : i32 to vector<64x1xi32>
      %xor3A_437 = arith.xori %and3A_431, %xor3A_436 : vector<64x1xi32>
      %select_n3A_438 = arith.select %lt3A_434, %xor3A_437, %and3A_431 : vector<64x1xi1>, vector<64x1xi32>
      %bitcast_convert_type3A_439 = tpu.bitcast %select_n3A_438 : vector<64x1xi32> -> vector<64x1xf32>
      %sub3A_440 = arith.subf %bitcast_convert_type3A_439, %broadcast_in_dim3A_175 : vector<64x1xf32>
      %exp3A_441 = math.exp %sub3A_440 : vector<64x1xf32>
      %div3A_442 = arith.divf %exp3A_441, %broadcast_in_dim3A_179 : vector<64x1xf32>
      %sub3A_443 = arith.subf %bitcast_convert_type3A_439, %broadcast_in_dim3A_175 : vector<64x1xf32>
      %sub3A_444 = arith.subf %sub3A_443, %log3A : vector<64x1xf32>
      %add3A_445 = arith.constant 1.000000e+00 : f32
      %add3A_446 = vector.broadcast %add3A_445 : f32 to vector<64x1xf32>
      %add3A_447 = arith.addf %add3A_446, %sub3A_444 : vector<64x1xf32>
      %mul3A_448 = arith.mulf %add3A_447, %div3A_442 : vector<64x1xf32>
      %iota3A_449 = tpu.iota {dimensions = array<i32: 1>} : vector<64x4096xi32>
      %bitcast_convert_type3A_450 = tpu.bitcast %get3A_172 : vector<64x4096xf32> -> vector<64x4096xi32>
      %lt3A_451 = arith.constant 0 : i32
      %lt3A_452 = vector.broadcast %lt3A_451 : i32 to vector<64x4096xi32>
      %lt3A_453 = arith.cmpi slt, %bitcast_convert_type3A_450, %lt3A_452 : vector<64x4096xi32>
      %xor3A_454 = arith.constant 2147483647 : i32
      %xor3A_455 = vector.broadcast %xor3A_454 : i32 to vector<64x4096xi32>
      %xor3A_456 = arith.xori %bitcast_convert_type3A_450, %xor3A_455 : vector<64x4096xi32>
      %select_n3A_457 = arith.select %lt3A_453, %xor3A_456, %bitcast_convert_type3A_450 : vector<64x4096xi1>, vector<64x4096xi32>
      %and3A_458 = arith.constant -4096 : i32
      %and3A_459 = vector.broadcast %and3A_458 : i32 to vector<64x4096xi32>
      %and3A_460 = arith.andi %select_n3A_457, %and3A_459 : vector<64x4096xi32>
      %sub3A_461 = arith.constant 4095 : i32
      %sub3A_462 = vector.broadcast %sub3A_461 : i32 to vector<64x4096xi32>
      %sub3A_463 = arith.subi %sub3A_462, %iota3A_449 : vector<64x4096xi32>
      %or3A_464 = arith.ori %and3A_460, %sub3A_463 : vector<64x4096xi32>
      %lt3A_465 = vector.broadcast %broadcast_in_dim3A_422 : vector<64x1xi32> to vector<64x4096xi32>
      %lt3A_466 = arith.cmpi slt, %or3A_464, %lt3A_465 : vector<64x4096xi32>
      %convert_element_type3A_467 = arith.extui %lt3A_466 : vector<64x4096xi1> to vector<64x4096xi32>
      %convert_element_type3A_468 = arith.sitofp %convert_element_type3A_467 : vector<64x4096xi32> to vector<64x4096xf32>
      %div3A_469 = vector.broadcast %broadcast_in_dim3A_179 : vector<64x1xf32> to vector<64x4096xf32>
      %div3A_470 = arith.divf %exp3A, %div3A_469 : vector<64x4096xf32>
      %mul3A_471 = arith.mulf %div3A_470, %convert_element_type3A_468 : vector<64x4096xf32>
      %reduce_sum3A_472 = arith.constant dense<0.000000e+00> : vector<64xf32>
      %reduce_sum3A_473 = vector.multi_reduction <add>, %mul3A_471, %reduce_sum3A_472 [1] : vector<64x4096xf32> to vector<64xf32>
      %broadcast_in_dim3A_474 = vector.shape_cast %reduce_sum3A_473 : vector<64xf32> to vector<64x1xf32>
      %add3A_475 = arith.constant 9.99999996E-13 : f32
      %add3A_476 = vector.broadcast %add3A_475 : f32 to vector<64x4096xf32>
      %add3A_477 = arith.addf %div3A_470, %add3A_476 : vector<64x4096xf32>
      %mul3A_478 = arith.mulf %add3A_477, %convert_element_type3A_468 : vector<64x4096xf32>
      %add3A_479 = arith.constant 9.99999996E-13 : f32
      %add3A_480 = vector.broadcast %add3A_479 : f32 to vector<64x1xf32>
      %add3A_481 = arith.addf %broadcast_in_dim3A_474, %add3A_480 : vector<64x1xf32>
      %div3A_482 = vector.broadcast %add3A_481 : vector<64x1xf32> to vector<64x4096xf32>
      %div3A_483 = arith.divf %mul3A_478, %div3A_482 : vector<64x4096xf32>
      %log3A_484 = math.log %div3A_483 : vector<64x4096xf32>
      %get3A_485 = arith.constant 0 : index
      %get3A_486 = arith.constant 0 : index
      %get3A_487 = vector.load %arg3[%get3A_485, %get3A_486] : memref<64x4096xf32, #tpu.memory_space<vmem>>, vector<64x4096xf32>
      %add3A_488 = arith.addf %log3A_484, %get3A_487 : vector<64x4096xf32>
      %reduce_max3A_489 = arith.constant dense<0xFF800000> : vector<64xf32>
      %reduce_max3A_490 = vector.multi_reduction <maximumf>, %add3A_488, %reduce_max3A_489 [1] : vector<64x4096xf32> to vector<64xf32>
      %broadcast_in_dim3A_491 = vector.shape_cast %reduce_max3A_490 : vector<64xf32> to vector<64x1xf32>
      %eq3A_492 = vector.broadcast %broadcast_in_dim3A_491 : vector<64x1xf32> to vector<64x4096xf32>
      %eq3A_493 = arith.cmpf oeq, %add3A_488, %eq3A_492 : vector<64x4096xf32>
      %jit3A_494 = arith.constant 4096 : i32
      %broadcast_in_dim3A_495 = vector.broadcast %jit3A_494 : i32 to vector<64x4096xi32>
      %select_n3A_496 = arith.select %eq3A_493, %iota3A_449, %broadcast_in_dim3A_495 : vector<64x4096xi1>, vector<64x4096xi32>
      %reduce_min3A = arith.constant dense<2147483647> : vector<64xi32>
      %reduce_min3A_497 = vector.multi_reduction <minsi>, %select_n3A_496, %reduce_min3A [1] : vector<64x4096xi32> to vector<64xi32>
      %broadcast_in_dim3A_498 = vector.shape_cast %reduce_min3A_497 : vector<64xi32> to vector<64x1xi32>
      %eq3A_499 = vector.broadcast %broadcast_in_dim3A_498 : vector<64x1xi32> to vector<64x4096xi32>
      %eq3A_500 = arith.cmpi eq, %iota3A_449, %eq3A_499 : vector<64x4096xi32>
      %jit3A_501 = arith.constant 0.000000e+00 : f32
      %broadcast_in_dim3A_502 = vector.broadcast %jit3A_501 : f32 to vector<64x4096xf32>
      %select_n3A_503 = arith.select %eq3A_500, %get3A_172, %broadcast_in_dim3A_502 : vector<64x4096xi1>, vector<64x4096xf32>
      %reduce_sum3A_504 = arith.constant dense<0.000000e+00> : vector<64xf32>
      %reduce_sum3A_505 = vector.multi_reduction <add>, %select_n3A_503, %reduce_sum3A_504 [1] : vector<64x4096xf32> to vector<64xf32>
      %broadcast_in_dim3A_506 = vector.shape_cast %reduce_sum3A_505 : vector<64xf32> to vector<64x1xf32>
      %sub3A_507 = arith.subf %broadcast_in_dim3A_506, %broadcast_in_dim3A_175 : vector<64x1xf32>
      %sub3A_508 = arith.subf %sub3A_507, %log3A : vector<64x1xf32>
      %add3A_509 = arith.constant 1.000000e+00 : f32
      %add3A_510 = vector.broadcast %add3A_509 : f32 to vector<64x1xf32>
      %add3A_511 = arith.addf %add3A_510, %sub3A_508 : vector<64x1xf32>
      %mul3A_512 = arith.mulf %add3A_511, %broadcast_in_dim3A_474 : vector<64x1xf32>
      %broadcast_in_dim3A_513 = arith.constant 0 : i32
      %broadcast_in_dim3A_514 = vector.broadcast %broadcast_in_dim3A_513 : i32 to vector<64x1xi32>
      %broadcast_in_dim3A_515 = arith.constant 0.000000e+00 : f32
      %broadcast_in_dim3A_516 = vector.broadcast %broadcast_in_dim3A_515 : f32 to vector<64x1xf32>
      %concatenate3A = tpu.concatenate %sub3A_196, %sub3A_229, %sub3A_263, %sub3A_297, %sub3A_331, %sub3A_365, %sub3A_399, %sub3A_428, %broadcast_in_dim3A_498, %broadcast_in_dim3A_514 in 1 : vector<64x1xi32>, vector<64x1xi32>, vector<64x1xi32>, vector<64x1xi32>, vector<64x1xi32>, vector<64x1xi32>, vector<64x1xi32>, vector<64x1xi32>, vector<64x1xi32>, vector<64x1xi32> -> vector<64x10xi32>
      %swap3A_517 = arith.constant 0 : index
      %swap3A_518 = arith.constant 0 : index
      %swap3A_519 = vector.load %arg4[%swap3A_517, %swap3A_518] : memref<64x10xi32, #tpu.memory_space<vmem>>, vector<64x10xi32>
      tpu.vector_store %arg4[%swap3A_517, %swap3A_518], %concatenate3A {strides = array<i32>} : memref<64x10xi32, #tpu.memory_space<vmem>>, vector<64x10xi32>,
      %concatenate3A_520 = tpu.concatenate %mul3A_215, %mul3A_249, %mul3A_283, %mul3A_317, %mul3A_351, %mul3A_385, %mul3A_419, %mul3A_448, %mul3A_512, %broadcast_in_dim3A_516 in 1 : vector<64x1xf32>, vector<64x1xf32>, vector<64x1xf32>, vector<64x1xf32>, vector<64x1xf32>, vector<64x1xf32>, vector<64x1xf32>, vector<64x1xf32>, vector<64x1xf32>, vector<64x1xf32> -> vector<64x10xf32>
      %swap3A_521 = arith.constant 0 : index
      %swap3A_522 = arith.constant 0 : index
      %swap3A_523 = vector.load %arg5[%swap3A_521, %swap3A_522] : memref<64x10xf32, #tpu.memory_space<vmem>>, vector<64x10xf32>
      tpu.vector_store %arg5[%swap3A_521, %swap3A_522], %concatenate3A_520 {strides = array<i32>} : memref<64x10xf32, #tpu.memory_space<vmem>>, vector<64x10xf32>,
    } else {
    }
    return
  }
  func.func @transform_0(%arg0: i32) -> (i32, i32) {
    %c0_i32 = arith.constant 0 : i32
    %c0_i32_0 = arith.constant 0 : i32
    %c0_i32_1 = arith.constant 0 : i32
    return %c0_i32, %c0_i32_0 : i32, i32
  }
  func.func @transform_1(%arg0: i32) -> (i32, i32) {
    %c0_i32 = arith.constant 0 : i32
    %c0_i32_0 = arith.constant 0 : i32
    return %c0_i32, %arg0 : i32, i32
  }
  func.func @transform_2(%arg0: i32) -> (i32, i32) {
    %c0_i32 = arith.constant 0 : i32
    %c0_i32_0 = arith.constant 0 : i32
    %c0_i32_1 = arith.constant 0 : i32
    return %c0_i32, %c0_i32_0 : i32, i32
  }
  func.func @transform_3(%arg0: i32) -> (i32, i32) {
    %c0_i32 = arith.constant 0 : i32
    %c0_i32_0 = arith.constant 0 : i32
    %c0_i32_1 = arith.constant 0 : i32
    return %c0_i32, %c0_i32_0 : i32, i32
  }
  func.func @transform_4(%arg0: i32) -> (i32, i32) {
    %c0_i32 = arith.constant 0 : i32
    %c0_i32_0 = arith.constant 0 : i32
    %c0_i32_1 = arith.constant 0 : i32
    return %c0_i32, %c0_i32_0 : i32, i32
  }
}

module attributes {stable_mosaic.version = 14 : i64} {
  func.func @_resid_body(%arg0: i32, %arg1: memref<64x256xf32, #tpu.memory_space<vmem>>, %arg2: memref<64x1024xf32, #tpu.memory_space<vmem>>, %arg3: memref<256x1024xf32, #tpu.memory_space<vmem>>, %arg4: memref<64x1024xf32, #tpu.memory_space<vmem>>) attributes {dimension_semantics = [#tpu.dimension_semantics<arbitrary>], iteration_bounds = array<i64: 4>, scalar_prefetch = 0 : i64, scratch_operands = 0 : i64, tpu.core_type = #tpu.core_type<tc>, window_params = [{transform_indices = @transform_0, window_bounds = array<i64: 64, 256>}, {pipeline_mode = #tpu.pipeline_mode<synchronous>, transform_indices = @transform_1, window_bounds = array<i64: 64, 1024>}, {transform_indices = @transform_2, window_bounds = array<i64: 256, 1024>}, {pipeline_mode = #tpu.pipeline_mode<synchronous>, transform_indices = @transform_3, window_bounds = array<i64: 64, 1024>}]} {
    %eq3A = arith.constant 0 : i32
    %eq3A_0 = arith.cmpi eq, %arg0, %eq3A : i32
    %convert_element_type3A = arith.extui %eq3A_0 : i1 to i32
    %cond3A = arith.constant 0 : i32
    %cond3A_1 = arith.cmpi ne, %convert_element_type3A, %cond3A : i32
    scf.if %cond3A_1 {
      %get3A_13 = arith.constant 0 : index
      %get3A_14 = arith.constant 0 : index
      %get3A_15 = vector.load %arg2[%get3A_13, %get3A_14] : memref<64x1024xf32, #tpu.memory_space<vmem>>, vector<64x1024xf32>
      %neg3A = arith.constant 0.000000e+00 : f32
      %neg3A_16 = vector.broadcast %neg3A : f32 to vector<64x1024xf32>
      %neg3A_17 = arith.subf %neg3A_16, %get3A_15 : vector<64x1024xf32>
      %swap3A_18 = arith.constant 0 : index
      %swap3A_19 = arith.constant 0 : index
      %swap3A_20 = vector.load %arg4[%swap3A_18, %swap3A_19] : memref<64x1024xf32, #tpu.memory_space<vmem>>, vector<64x1024xf32>
      tpu.vector_store %arg4[%swap3A_18, %swap3A_19], %neg3A_17 {strides = array<i32>} : memref<64x1024xf32, #tpu.memory_space<vmem>>, vector<64x1024xf32>,
    } else {
    }
    %get3A = arith.constant 0 : index
    %get3A_2 = arith.constant 0 : index
    %get3A_3 = vector.load %arg4[%get3A, %get3A_2] : memref<64x1024xf32, #tpu.memory_space<vmem>>, vector<64x1024xf32>
    %get3A_4 = arith.constant 0 : index
    %get3A_5 = arith.constant 0 : index
    %get3A_6 = vector.load %arg1[%get3A_4, %get3A_5] : memref<64x256xf32, #tpu.memory_space<vmem>>, vector<64x256xf32>
    %get3A_7 = arith.constant 0 : index
    %get3A_8 = arith.constant 0 : index
    %get3A_9 = vector.load %arg3[%get3A_7, %get3A_8] : memref<256x1024xf32, #tpu.memory_space<vmem>>, vector<256x1024xf32>
    %dot_general3A = arith.constant dense<0.000000e+00> : vector<64x1024xf32>
    %dot_general3A_10 = tpu.matmul %get3A_6, %get3A_9, %dot_general3A {dimension_numbers = #tpu.dot_dimension_numbers<[1], [0], [0], [1], [0, 0, 1, 1], [], []>, transpose_lhs_hint = false} : vector<64x256xf32>, vector<256x1024xf32>, vector<64x1024xf32> -> vector<64x1024xf32>
    %add3A = arith.addf %get3A_3, %dot_general3A_10 : vector<64x1024xf32>
    %swap3A = arith.constant 0 : index
    %swap3A_11 = arith.constant 0 : index
    %swap3A_12 = vector.load %arg4[%swap3A, %swap3A_11] : memref<64x1024xf32, #tpu.memory_space<vmem>>, vector<64x1024xf32>
    tpu.vector_store %arg4[%swap3A, %swap3A_11], %add3A {strides = array<i32>} : memref<64x1024xf32, #tpu.memory_space<vmem>>, vector<64x1024xf32>,
    return
  }
  func.func @transform_0(%arg0: i32) -> (i32, i32) {
    %c0_i32 = arith.constant 0 : i32
    %c0_i32_0 = arith.constant 0 : i32
    return %c0_i32, %arg0 : i32, i32
  }
  func.func @transform_1(%arg0: i32) -> (i32, i32) {
    %c0_i32 = arith.constant 0 : i32
    %c0_i32_0 = arith.constant 0 : i32
    %c0_i32_1 = arith.constant 0 : i32
    return %c0_i32, %c0_i32_0 : i32, i32
  }
  func.func @transform_2(%arg0: i32) -> (i32, i32) {
    %c0_i32 = arith.constant 0 : i32
    %c0_i32_0 = arith.constant 0 : i32
    return %arg0, %c0_i32 : i32, i32
  }
  func.func @transform_3(%arg0: i32) -> (i32, i32) {
    %c0_i32 = arith.constant 0 : i32
    %c0_i32_0 = arith.constant 0 : i32
    %c0_i32_1 = arith.constant 0 : i32
    return %c0_i32, %c0_i32_0 : i32, i32
  }
}

module attributes {stable_mosaic.version = 14 : i64} {
  func.func @_combine_body(%arg0: memref<640x1024xf32, #tpu.memory_space<vmem>>, %arg1: memref<640x1xf32, #tpu.memory_space<vmem>>, %arg2: memref<64x1024xf32, #tpu.memory_space<vmem>>, %arg3: memref<1x1xf32, #tpu.memory_space<smem>>) attributes {dimension_semantics = [], scalar_prefetch = 0 : i64, scratch_operands = 0 : i64, tpu.core_type = #tpu.core_type<tc>} {
    %get3A = arith.constant 0 : index
    %get3A_0 = arith.constant 0 : index
    %get3A_1 = vector.load %arg0[%get3A, %get3A_0] : memref<640x1024xf32, #tpu.memory_space<vmem>>, vector<640x1024xf32>
    %get3A_2 = arith.constant 0 : index
    %get3A_3 = arith.constant 0 : index
    %get3A_4 = vector.load %arg1[%get3A_2, %get3A_3] : memref<640x1xf32, #tpu.memory_space<vmem>>, vector<640x1xf32>
    %mul3A = arith.mulf %get3A_1, %get3A_1 : vector<640x1024xf32>
    %reduce_sum3A = arith.constant dense<0.000000e+00> : vector<640xf32>
    %reduce_sum3A_5 = vector.multi_reduction <add>, %mul3A, %reduce_sum3A [1] : vector<640x1024xf32> to vector<640xf32>
    %broadcast_in_dim3A = vector.shape_cast %reduce_sum3A_5 : vector<640xf32> to vector<640x1xf32>
    %mul3A_6 = arith.mulf %broadcast_in_dim3A, %get3A_4 : vector<640x1xf32>
    %reduce_sum3A_7 = vector.shape_cast %mul3A_6 : vector<640x1xf32> to vector<1x640x1xf32>
    %reduce_sum3A_8 = arith.constant dense<0.000000e+00> : vector<1xf32>
    %reduce_sum3A_9 = vector.multi_reduction <add>, %reduce_sum3A_7, %reduce_sum3A_8 [1, 2] : vector<1x640x1xf32> to vector<1xf32>
    %reduce_sum3A_10 = vector.shape_cast %reduce_sum3A_9 : vector<1xf32> to vector<1x1x1xf32>
    %reduce_sum3A_11 = vector.extract %reduce_sum3A_10[0, 0, 0] : f32 from vector<1x1x1xf32>
    %iota3A = tpu.iota {dimensions = array<i32: 0>} : vector<64x640xi32>
    %iota3A_12 = tpu.iota {dimensions = array<i32: 1>} : vector<64x640xi32>
    %mul3A_13 = arith.constant 10 : i32
    %mul3A_14 = vector.broadcast %mul3A_13 : i32 to vector<64x640xi32>
    %mul3A_15 = arith.muli %iota3A, %mul3A_14 : vector<64x640xi32>
    %ge3A = arith.cmpi sge, %iota3A_12, %mul3A_15 : vector<64x640xi32>
    %mul3A_16 = arith.constant 10 : i32
    %mul3A_17 = vector.broadcast %mul3A_16 : i32 to vector<64x640xi32>
    %mul3A_18 = arith.muli %iota3A, %mul3A_17 : vector<64x640xi32>
    %add3A = arith.constant 10 : i32
    %add3A_19 = vector.broadcast %add3A : i32 to vector<64x640xi32>
    %add3A_20 = arith.addi %mul3A_18, %add3A_19 : vector<64x640xi32>
    %lt3A = arith.cmpi slt, %iota3A_12, %add3A_20 : vector<64x640xi32>
    %and3A = arith.andi %ge3A, %lt3A : vector<64x640xi1>
    %convert_element_type3A = arith.extui %and3A : vector<64x640xi1> to vector<64x640xi32>
    %convert_element_type3A_21 = arith.sitofp %convert_element_type3A : vector<64x640xi32> to vector<64x640xf32>
    %mul3A_22 = vector.broadcast %get3A_4 : vector<640x1xf32> to vector<640x1024xf32>
    %mul3A_23 = arith.mulf %get3A_1, %mul3A_22 : vector<640x1024xf32>
    %dot_general3A = arith.constant dense<0.000000e+00> : vector<64x1024xf32>
    %dot_general3A_24 = tpu.matmul %convert_element_type3A_21, %mul3A_23, %dot_general3A {dimension_numbers = #tpu.dot_dimension_numbers<[1], [0], [0], [1], [0, 0, 1, 1], [], []>, transpose_lhs_hint = false} : vector<64x640xf32>, vector<640x1024xf32>, vector<64x1024xf32> -> vector<64x1024xf32>
    %get3A_25 = arith.constant 0 : index
    %get3A_26 = arith.constant 0 : index
    %get3A_27 = vector.load %arg2[%get3A_25, %get3A_26] : memref<64x1024xf32, #tpu.memory_space<vmem>>, vector<64x1024xf32>
    %mul3A_28 = arith.mulf %dot_general3A_24, %get3A_27 : vector<64x1024xf32>
    %reduce_sum3A_29 = vector.shape_cast %mul3A_28 : vector<64x1024xf32> to vector<1x64x1024xf32>
    %reduce_sum3A_30 = arith.constant dense<0.000000e+00> : vector<1xf32>
    %reduce_sum3A_31 = vector.multi_reduction <add>, %reduce_sum3A_29, %reduce_sum3A_30 [1, 2] : vector<1x64x1024xf32> to vector<1xf32>
    %reduce_sum3A_32 = vector.shape_cast %reduce_sum3A_31 : vector<1xf32> to vector<1x1x1xf32>
    %reduce_sum3A_33 = vector.extract %reduce_sum3A_32[0, 0, 0] : f32 from vector<1x1x1xf32>
    %mul3A_34 = arith.mulf %get3A_27, %get3A_27 : vector<64x1024xf32>
    %reduce_sum3A_35 = arith.constant dense<0.000000e+00> : vector<64xf32>
    %reduce_sum3A_36 = vector.multi_reduction <add>, %mul3A_34, %reduce_sum3A_35 [1] : vector<64x1024xf32> to vector<64xf32>
    %broadcast_in_dim3A_37 = vector.shape_cast %reduce_sum3A_36 : vector<64xf32> to vector<64x1xf32>
    %dot_general3A_38 = arith.constant dense<0.000000e+00> : vector<64x1xf32>
    %dot_general3A_39 = tpu.matmul %convert_element_type3A_21, %get3A_4, %dot_general3A_38 {dimension_numbers = #tpu.dot_dimension_numbers<[1], [0], [0], [1], [0, 0, 1, 1], [], []>, transpose_lhs_hint = false} : vector<64x640xf32>, vector<640x1xf32>, vector<64x1xf32> -> vector<64x1xf32>
    %mul3A_40 = arith.mulf %broadcast_in_dim3A_37, %dot_general3A_39 : vector<64x1xf32>
    %reduce_sum3A_41 = vector.shape_cast %mul3A_40 : vector<64x1xf32> to vector<1x64x1xf32>
    %reduce_sum3A_42 = arith.constant dense<0.000000e+00> : vector<1xf32>
    %reduce_sum3A_43 = vector.multi_reduction <add>, %reduce_sum3A_41, %reduce_sum3A_42 [1, 2] : vector<1x64x1xf32> to vector<1xf32>
    %reduce_sum3A_44 = vector.shape_cast %reduce_sum3A_43 : vector<1xf32> to vector<1x1x1xf32>
    %reduce_sum3A_45 = vector.extract %reduce_sum3A_44[0, 0, 0] : f32 from vector<1x1x1xf32>
    %mul3A_46 = arith.constant 2.000000e+00 : f32
    %mul3A_47 = arith.mulf %mul3A_46, %reduce_sum3A_33 : f32
    %add3A_48 = arith.addf %reduce_sum3A_11, %mul3A_47 : f32
    %add3A_49 = arith.addf %add3A_48, %reduce_sum3A_45 : f32
    %mul3A_50 = arith.constant 1.52587891E-5 : f32
    %mul3A_51 = arith.mulf %add3A_49, %mul3A_50 : f32
    %swap3A = arith.constant 0 : index
    %swap3A_52 = arith.constant 0 : index
    %swap3A_53 = memref.load %arg3[%swap3A, %swap3A_52] : memref<1x1xf32, #tpu.memory_space<smem>>
    memref.store %mul3A_51, %arg3[%swap3A, %swap3A_52] : memref<1x1xf32, #tpu.memory_space<smem>>
    return
  }
}

</mosaic_0001>

<sc_bundles>
// kernel: kernel.6.cloned.1.call-start
scs
__scs_entry_jumppad:
0x0: {  	(pc) =	sbr.rel $0x88, $3  }
0x1: {  	(tag) =	ssettag $0x0;
	lr =	simm.s32 $0x1  }
0x2: {  	[smem:$0x3F9B] =	sst lr;
	_ =	strace $0xD0000000  }
0x3: {  	_ = 	snop  }
0x4: {  	_ = 	snop  }
0x5: {  	_ = 	snop  }
0x6: {  	_ = 	snop  }
0x7: {  	_ = 	snop  }
__scs_overlays_trampoline_lowered:
0x8: {  	[smem:$0x3FAA] =	sst s0  }
0x9: {  	[smem:$0x3FAB] =	sst s1  }
0xa: {  	[smem:$0x3FAC] =	sst s2  }
0xb: {  	[smem:$0x3FAD] =	sst s3  }
0xc: {  	[smem:$0x3FAE] =	sst s4  }
0xd: {  	[smem:$0x3FAF] =	sst s5  }
0xe: {  	[smem:$0x3FB0] =	sst s6  }
0xf: {  	[smem:$0x3FB1] =	sst s7  }
0x10: {  	[smem:$0x3FB2] =	sst s8  }
0x11: {  	[smem:$0x3FB3] =	sst s9;
	s0 =	simm.s32 @!p0 $0x0  }
0x12: {  	s1 =	sld [smem:$0x3F99];
	s0 =	simm.s32 @p0 $0x1  }
0x13: {  	[smem:$0x3FB4] =	sst s0;
	s0 =	simm.s32 @!p1 $0x0  }
0x14: {  	s2 =	sld [smem:$0x3F98];
	s0 =	simm.s32 @p1 $0x1  }
0x15: {  	[smem:$0x3FB5] =	sst s0;
	s0 =	simm.s32 @!p2 $0x0  }
0x16: {  	s3 =	sld [smem:$0x3FDB];
	s0 =	simm.s32 @p2 $0x1  }
0x17: {  	s4 =	simm.s32 $0x1BF5;
	[smem:$0x3FB7] =	sst s0  }
0x18: {  	s0 =	sld [smem:$0x3F9A];
	_ =	swait.ge [sflag:s4], $0x0  }
0x19: {  	s7 =	sld [smem:$0x3F9B]  }
0x1a: {  	s8 =	sadd.s32 $0xFFFFE003, lr  }
0x1b: {  	s9 =	sadd.s32 $0xFFFFFEF7, lr;
	s5 =	simm.s32 $0xFFFFFFFF;
	p2 =	slt.u32 s8, $0xFFFFF086  }
0x1c: {  	p1 =	slt.u32 s9, $0xF7A;
	s5 =	simm.s32 @!p2 $0x0  }
0x1d: {  	s5 =	simm.s32 @p1 $0x1;
	p0 =	seq.s32 s7, s2  }
0x1e: {  	s7 =	smul.u32 @!p0 $0xF7A, s2;
	p2 =	seq.s32 @!p0 s5, $0x0  }
0x1f: {  	s9 =	smul.u32 $0xF7A, s1;
	s8 =	simm.s32 @!p0 $0x1BF5;
	p2 =	por !p2, p0  }
0x20: {  	[sflag:s8] =	ssyncset.s32 @!p0 $0xFFFFF086;
	s6 =	sadd.s32 @!p0 s3, s7;
	s7 =	simm.s32 @!p0 $0x108  }
0x21: {  	s3 =	sadd.s32 s3, s9;
	s6 =	sadd.s32 @!p0 $0x88, s6;
	s7 =	simm.s32 @p2 $0x1082  }
0x22: {  	[simem:s7], [sflag:s8] =	dma.local @!p0 [hbm:s6], $0xF7A  }
0x23: {  	s9 =	sor.u32 $0xD0000000, s2;
	s6 =	simm.s32 $0x108;
	_ =	swait.ge @!p0 [sflag:s8], $0x0  }
0x24: {  	s3 =	sadd.s32 $0x88, s3;
	s6 =	simm.s32 @!p1 $0x1082;
	[sflag:s4] =	ssyncset.s32 $0xFFFFF086  }
0x25: {  	[simem:s6], [sflag:s4] =	dma.local [hbm:s3], $0xF7A  }
0x26: {  	[smem:$0x3F9B] =	sst s1;
	(tag) =	ssettag s2;
	_ =	strace s9  }
0x27: {  	s1 =	sld [smem:$0x3FAB]  }
0x28: {  	s2 =	sld [smem:$0x3FAC]  }
0x29: {  	s4 =	sld [smem:$0x3FAE]  }
0x2a: {  	p0 =	seq.s32 s5, $0x0;
	s5 =	sld [smem:$0x3FAF]  }
0x2b: {  	s6 =	sld [smem:$0x3FB0]  }
0x2c: {  	s7 =	sld [smem:$0x3FB1]  }
0x2d: {  	s3 =	simm.s32 $0x108;
	s8 =	sld [smem:$0x3FB2]  }
0x2e: {  	s3 =	simm.s32 @!p0 $0x1082;
	s9 =	sld [smem:$0x3FB3]  }
0x2f: {  	lr =	sadd.s32 s0, s3;
	s0 =	sld [smem:$0x3FAA]  }
0x30: {  	s3 =	sld [smem:$0x3FAD]  }
0x31: {  	[smem:$0x3FB6] =	sst s10  }
0x32: {  	s10 =	sld [smem:$0x3FB4];
	_ =	sdelay $0x3  }
0x33: {  	p0 =	seq.s32 s10, $0x1;
	s10 =	sld [smem:$0x3FB6];
	_ =	sdelay $0x3  }
0x34: {  	[smem:$0x3FB6] =	sst s10  }
0x35: {  	s10 =	sld [smem:$0x3FB5];
	_ =	sdelay $0x3  }
0x36: {  	p1 =	seq.s32 s10, $0x1;
	s10 =	sld [smem:$0x3FB6];
	_ =	sdelay $0x3  }
0x37: {  	[smem:$0x3FB6] =	sst s10  }
0x38: {  	s10 =	sld [smem:$0x3FB7]  }
0x39: {  	_ = 	snop;
	(pc) =	sbr.ind lr, $3  }
0x3a: {  	_ = 	snop  }
0x3b: {  	_ = 	snop  }
0x3c: {  	p2 =	seq.s32 s10, $0x1;
	s10 =	sld [smem:$0x3FB6]  }
0x3d: {  	_ =	shalt  }
0x3e: {  	_ =	shalt  }
0x3f: {  	_ =	shalt  }
0x40: {  	_ =	shalt  }
0x41: {  	_ =	shalt  }
0x42: {  	_ =	shalt  }
0x43: {  	_ =	shalt  }
0x44: {  	_ =	shalt  }
0x45: {  	_ =	shalt  }
0x46: {  	_ =	shalt  }
0x47: {  	_ =	shalt  }
0x48: {  	_ =	shalt  }
0x49: {  	_ =	shalt  }
0x4a: {  	_ =	shalt  }
0x4b: {  	_ =	shalt  }
0x4c: {  	_ =	shalt  }
0x4d: {  	_ =	shalt  }
0x4e: {  	_ =	shalt  }
0x4f: {  	_ =	shalt  }
0x50: {  	_ =	shalt  }
0x51: {  	_ =	shalt  }
0x52: {  	_ =	shalt  }
0x53: {  	_ =	shalt  }
0x54: {  	_ =	shalt  }
0x55: {  	_ =	shalt  }
0x56: {  	_ =	shalt  }
0x57: {  	_ =	shalt  }
0x58: {  	_ =	shalt  }
0x59: {  	_ =	shalt  }
0x5a: {  	_ =	shalt  }
0x5b: {  	_ =	shalt  }
0x5c: {  	_ =	shalt  }
0x5d: {  	_ =	shalt  }
0x5e: {  	_ =	shalt  }
0x5f: {  	_ =	shalt  }
0x60: {  	_ =	shalt  }
0x61: {  	_ =	shalt  }
0x62: {  	_ =	shalt  }
0x63: {  	_ =	shalt  }
0x64: {  	_ =	shalt  }
0x65: {  	_ =	shalt  }
0x66: {  	_ =	shalt  }
0x67: {  	_ =	shalt  }
0x68: {  	_ =	shalt  }
0x69: {  	_ =	shalt  }
0x6a: {  	_ =	shalt  }
0x6b: {  	_ =	shalt  }
0x6c: {  	_ =	shalt  }
0x6d: {  	_ =	shalt  }
0x6e: {  	_ =	shalt  }
0x6f: {  	_ =	shalt  }
0x70: {  	_ =	shalt  }
0x71: {  	_ =	shalt  }
0x72: {  	_ =	shalt  }
0x73: {  	_ =	shalt  }
0x74: {  	_ =	shalt  }
0x75: {  	_ =	shalt  }
0x76: {  	_ =	shalt  }
0x77: {  	_ =	shalt  }
0x78: {  	_ =	shalt  }
0x79: {  	_ =	shalt  }
0x7a: {  	_ =	shalt  }
0x7b: {  	_ =	shalt  }
0x7c: {  	_ =	shalt  }
0x7d: {  	_ =	shalt  }
0x7e: {  	_ =	shalt  }
0x7f: {  	_ =	shalt  }
0x80: {  	_ =	shalt  }
0x81: {  	_ =	shalt  }
0x82: {  	_ =	shalt  }
0x83: {  	_ =	shalt  }
0x84: {  	_ =	shalt  }
0x85: {  	_ =	shalt  }
0x86: {  	_ =	shalt  }
0x87: {  	_ =	shalt  }
.Lfunc_end0:
.L_simem_size_0:
called_computation_lowered:
.L_overlay_start_0:
0x88: {  	s0 =	sld [smem:$0x3FD9]  }
0x89: {  	s1 =	sld [smem:$0x3FFE];
	_ =	sdelay $0x3  }
0x8a: {  	s0 =	sadd.s32 s1, s0  }
0x8b: {  	[smem:$0x3FC2] =	sst s0  }
0x8c: {  	_ = 	snop  }
0x8d: {  	s0 =	sld [smem:$0x3FC5];
	(tm) =	ssettm $0x1  }
0x8e: {  	s16 =	sld [smem:$0x3FFB];
	_ =	sdelay $0x3  }
0x8f: {  	_ =	strace s16  }
0x90: {  	s1 =	sld [smem:$0x3FFC];
	_ =	sdelay $0x3  }
0x91: {  	_ =	strace s1  }
0x92: {  	s1 =	sld [smem:$0x3FFD];
	_ =	sdelay $0x3  }
0x93: {  	_ =	strace s1  }
0x94: {  	_ =	strace $0x8FFFFFFF  }
0x95: {  	s17 =	sld [smem:$0x3FDB];
	_ =	sdelay $0x1  }
0x96: {  	s2 =	simm.s32 $_scs_section_size  }
0x97: {  	s3 =	simm.s32 $_size__tile_overlayer_lowered;
	s4 =	simm.s32 $_tile_overlayer_lowered  }
0x98: {  	s20 =	simm.s32 $0x1BFF;
	s19 =	sshll.u32 s4, $0x1;
	s1 =	sadd.s32 s2, s17  }
0x99: {  	s5 =	simm.s32 $0x0;
	s18 =	sshll.u32 s3, $0x1;
	s3 =	sadd.s32 s19, s1  }
0x9a: {  	[timem:s5], [sflag:s20] =	dma.local [hbm:s3], s18  }
0x9b: {  	_ =	swait.ge [sflag:s20], s18  }
0x9c: {  	s2 =	ssub.s32 $0x0, s18;
	[sflag:s20] =	ssyncset.done $0x0  }
0x9d: {  	[sflag:s20] =	ssyncadd.s32 s2;
	_ =	sdelay $0x1  }
0x9e: {  	s21 =	simm.s32 $0x1B8B  }
0x9f: {  	_ =	swait.ge [sflag:s21], $0x1  }
0xa0: {  	[sflag:s21] =	ssyncset.done $0x0  }
0xa1: {  	s23 =	simm.s32 $0x1B8E;
	s22 =	sld [smem:$0x3FFE];
	[sflag:s21] =	ssyncadd.s32 $0xFFFFFFFF  }
0xa2: {  	s24 =	simm.s32 $execute0_lowered;
	[smem:$0x3FD2] =	sst s23  }
0xa3: {  	s3 =	sshll.u32 s24, $0x1;
	_ =	strace $0x80000046;
	[dreg:$0x1] =	wrdreg $0xFFFFFFFF  }
0xa4: {  	s25 =	simm.s32 $_size_execute0_lowered;
	s1 =	sadd.s32 s1, s3;
	[dreg:$0x0] =	wrdreg $0x0  }
0xa5: {  	s3 =	sshll.u32 s25, $0x1;
	[dreg:$0x2] =	wrdreg s1  }
0xa6: {  	[dreg:$0x3] =	wrdreg s3  }
0xa7: {  	[dreg:$0x4] =	wrdreg $0xC0  }
0xa8: {  	_ =	task [dreg:s5], $0x5FFFF  }
0xa9: {  	[dreg:$0x1] =	wrdreg $0xFFFFFFFF  }
0xaa: {  	[dreg:$0x0] =	wrdreg $0x60  }
0xab: {  	[dreg:$0x2] =	wrdreg s0  }
0xac: {  	[dreg:$0x3] =	wrdreg s22  }
0xad: {  	[dreg:$0x4] =	wrdreg $0x9  }
0xae: {  	_ =	task.clear_ibuf [dreg:s5], $0x5FFFF;
	_ =	strace $0x90000046  }
0xaf: {  	s26 =	simm.s32 $0x9;
	_ =	strace $0x80000048  }
0xb0: {  	_ =	swait.ge [sflag:s26], $0x1  }
0xb1: {  	[sflag:s26] =	ssyncadd.s32 $0xFFFFFFFF  }
0xb2: {  	_ =	strace $0x90000048  }
0xb3: {  	_ =	sfence  }
0xb4: {  	s28 =	sld [smem:$0x0];
	_ =	sdelay $0x1  }
0xb5: {  	s29 =	srdreg.scid  }
0xb6: {  	s30 =	sshll.u32 s29, $0xD;
	s31 =	sshrl.u32 s29, $0x2  }
0xb7: {  	s2 =	sand.u32 $0x4000, s30;
	s1 =	sand.u32 $0x1, s29;
	s0 =	sadd.s32 s31, s28  }
0xb8: {  	s1 =	sor.u32 s2, s1;
	s0 =	sshll.u32 s0, $0x11  }
0xb9: {  	s0 =	sor.u32 s0, s1  }
0xba: {  	s0 =	sadd.s32 $0x8F2B, s0  }
0xbb: {  	[sflag:s0] =	ssyncadd.remote.s32 $0x1  }
0xbc: {  	_ =	sfence.sel $0xFFFF  }
0xbd: {  	[dreg:$0x0] =	wrdreg $0xFFFFFFFF;
	(pc) =	sbr.abs _section_cstart, $3  }
0xbe: {  	[dreg:$0x1] =	wrdreg $0xFFFFFFFF  }
0xbf: {  	_ =	task.clear_ibuf [dreg:s5], $0x2FFFF;
	_ =	strace $0x9FFFFFFF  }
0xc0: {  	(tm) =	ssettm $0x7FFFFFFF  }
0xc1: {  	_ =	shalt  }
tec
execute0_lowered:
.L_overlay_start_1:
0x0: {  	(tag) =	ssettag $0x1  }
0x1: {  	s0 =	stileid.u32  }
0x2: {  	s5 =	rddreg [dreg:$0x0];
	s3 =	smul.u32 $0x5, s0  }
0x3: {  	s4 =	rddreg [dreg:$0x1];
	s2 =	simm.s32 $0x0  }
0x4: {  	[smem:$0x7FF] =	sst s2;
	s3 =	sadd.s32 s3, s4  }
0x5: {  	s1 =	rddreg [dreg:$0x2];
	_ =	strace $0x80000047;
	s3 =	sadd.s32 $0x1400, s3  }
0x6: {  	[tilespmem:s2], [sflag:$0x4] =	stream.linear.gather [hbm4b:s3+s2], $0x28, $0x38;
	[tilespmem:$0xA080] =	vst v63  }
0x7: {  	s3 =	simm.s32 $0x4  }
0x8: {  	_ =	swait.ge [sflag:s3], $0x28  }
0x9: {  	[sflag:s3] =	ssyncset.done $0x0  }
0xa: {  	[sflag:s3] =	ssyncadd.s32 $0xFFFFFFD8  }
0xb: {  	v0 =	vld [tilespmem:$0x0];
	_ =	sdelay $0x4  }
0xc: {  	v1 =	vshll.u32 v0, $0x3  }
0xd: {  	v2 =	vlaneseq.u32;
	v0 =	vand.u32 $0x7, v0;
	v1 =	vand.u32 $0xFFFFFFC0, v1  }
0xe: {  	v61 =	vand.u32 $0x7, v2;
	v3 =	vshrl.u32 v2, $0x3;
	v0 =	vor.u32 v0, v1  }
0xf: {  	v3 =	vmul.u32 $0x8, v3;
	v4 =	vperm.xlane v0, v61;
	_ =	sdelay $0x1  }
0x10: {  	v4 =	vadd.s32 v3, v4;
	_ =	sdelay $0x3  }
0x11: {  	vm0 =	vmmov $0xffff;
	s6 =	simm.s32 $0x80  }
0x12: {  	v2 =	vor.u32 $0x8, v2;
	[tilespmem:s6], [sflag:$0x1] =	stream.indirect_vreg.gather [hbm4b:s5+s2], $0x80, v4, vm0, $0xb8;
	[tilespmem:$0xA080] =	vst v63  }
0x13: {  	s8 =	simm.s32 $0x880;
	s7 =	sadd.s32 $0x100, s5;
	v0 =	vperm.xlane v0, v2  }
0x14: {  	[tilespmem:s8], [sflag:$0x1] =	stream.indirect_vreg.gather [hbm4b:s7+s2], $0x80, v4, vm0, $0xb8;
	[tilespmem:$0xA080] =	vst v63  }
0x15: {  	s9 =	simm.s32 $0x1080;
	s29 =	sadd.s32 $0x200, s5;
	v0 =	vadd.s32 v3, v0  }
0x16: {  	[tilespmem:s9], [sflag:$0x1] =	stream.indirect_vreg.gather [hbm4b:s29+s2], $0x80, v4, vm0, $0xb8;
	[tilespmem:$0xA080] =	vst v63  }
0x17: {  	s10 =	simm.s32 $0x1880;
	s30 =	sadd.s32 $0x300, s5  }
0x18: {  	[tilespmem:s10], [sflag:$0x1] =	stream.indirect_vreg.gather [hbm4b:s30+s2], $0x80, v4, vm0, $0xb8;
	[tilespmem:$0xA080] =	vst v63  }
0x19: {  	s31 =	simm.s32 $0x2080  }
0x1a: {  	[tilespmem:s31], [sflag:$0x1] =	stream.indirect_vreg.gather [hbm4b:s5+s2], $0x80, v0, vm0, $0xb8;
	[tilespmem:$0xA080] =	vst v63  }
0x1b: {  	s11 =	simm.s32 $0x2880  }
0x1c: {  	[tilespmem:s11], [sflag:$0x1] =	stream.indirect_vreg.gather [hbm4b:s7+s2], $0x80, v0, vm0, $0xb8;
	[tilespmem:$0xA080] =	vst v63  }
0x1d: {  	s12 =	simm.s32 $0x3080  }
0x1e: {  	[tilespmem:s12], [sflag:$0x1] =	stream.indirect_vreg.gather [hbm4b:s29+s2], $0x80, v0, vm0, $0xb8;
	[tilespmem:$0xA080] =	vst v63  }
0x1f: {  	s13 =	simm.s32 $0x3880  }
0x20: {  	[tilespmem:s13], [sflag:$0x1] =	stream.indirect_vreg.gather [hbm4b:s30+s2], $0x80, v0, vm0, $0xb8;
	[tilespmem:$0xA080] =	vst v63  }
0x21: {  	v0 =	vld.msk [tilespmem:$0x10], $0xff;
	_ =	sdelay $0x4  }
0x22: {  	v62 =	vshll.u32 v0, $0x3  }
0x23: {  	v0 =	vand.u32 $0x7, v0;
	v4 =	vand.u32 $0xFFFFFFC0, v62  }
0x24: {  	v0 =	vor.u32 v0, v4  }
0x25: {  	v0 =	vperm.xlane v0, v61;
	_ =	sdelay $0x1  }
0x26: {  	v0 =	vadd.s32 v3, v0;
	_ =	sdelay $0x3  }
0x27: {  	s14 =	simm.s32 $0x4080  }
0x28: {  	[tilespmem:s14], [sflag:$0x1] =	stream.indirect_vreg.gather [hbm4b:s5+s2], $0x80, v0, vm0, $0xb8;
	[tilespmem:$0xA080] =	vst v63  }
0x29: {  	s15 =	simm.s32 $0x4880  }
0x2a: {  	[tilespmem:s15], [sflag:$0x1] =	stream.indirect_vreg.gather [hbm4b:s7+s2], $0x80, v0, vm0, $0xb8;
	[tilespmem:$0xA080] =	vst v63  }
0x2b: {  	s16 =	simm.s32 $0x5080  }
0x2c: {  	[tilespmem:s16], [sflag:$0x1] =	stream.indirect_vreg.gather [hbm4b:s29+s2], $0x80, v0, vm0, $0xb8;
	[tilespmem:$0xA080] =	vst v63  }
0x2d: {  	s17 =	simm.s32 $0x5880  }
0x2e: {  	[tilespmem:s17], [sflag:$0x1] =	stream.indirect_vreg.gather [hbm4b:s30+s2], $0x80, v0, vm0, $0xb8;
	[tilespmem:$0xA080] =	vst v63  }
0x2f: {  	v0 =	vld [tilespmem:$0x18];
	_ =	sdelay $0x4  }
0x30: {  	v63 =	vshll.u32 v0, $0x3  }
0x31: {  	v0 =	vand.u32 $0x7, v0;
	v4 =	vand.u32 $0xFFFFFFC0, v63  }
0x32: {  	v0 =	vor.u32 v0, v4  }
0x33: {  	v1 =	vperm.xlane v0, v61;
	_ =	sdelay $0x1  }
0x34: {  	v1 =	vadd.s32 v3, v1;
	_ =	sdelay $0x3  }
0x35: {  	s18 =	simm.s32 $0x6080  }
0x36: {  	[tilespmem:s18], [sflag:$0x2] =	stream.indirect_vreg.gather [hbm4b:s5+s2], $0x80, v1, vm0, $0xb8;
	[tilespmem:$0xA080] =	vst v63  }
0x37: {  	s11 =	simm.s32 $0x6880;
	v0 =	vperm.xlane v0, v2  }
0x38: {  	[tilespmem:s11], [sflag:$0x2] =	stream.indirect_vreg.gather [hbm4b:s7+s2], $0x80, v1, vm0, $0xb8;
	[tilespmem:$0xA080] =	vst v63  }
0x39: {  	s19 =	simm.s32 $0x7080;
	v0 =	vadd.s32 v3, v0  }
0x3a: {  	[tilespmem:s19], [sflag:$0x2] =	stream.indirect_vreg.gather [hbm4b:s29+s2], $0x80, v1, vm0, $0xb8;
	[tilespmem:$0xA080] =	vst v63  }
0x3b: {  	s20 =	simm.s32 $0x7880  }
0x3c: {  	[tilespmem:s20], [sflag:$0x2] =	stream.indirect_vreg.gather [hbm4b:s30+s2], $0x80, v1, vm0, $0xb8;
	[tilespmem:$0xA080] =	vst v63  }
0x3d: {  	s21 =	simm.s32 $0x8080  }
0x3e: {  	[tilespmem:s21], [sflag:$0x2] =	stream.indirect_vreg.gather [hbm4b:s5+s2], $0x80, v0, vm0, $0xb8;
	[tilespmem:$0xA080] =	vst v63  }
0x3f: {  	s22 =	simm.s32 $0x8880  }
0x40: {  	[tilespmem:s22], [sflag:$0x2] =	stream.indirect_vreg.gather [hbm4b:s7+s2], $0x80, v0, vm0, $0xb8;
	[tilespmem:$0xA080] =	vst v63  }
0x41: {  	s23 =	simm.s32 $0x9080  }
0x42: {  	[tilespmem:s23], [sflag:$0x2] =	stream.indirect_vreg.gather [hbm4b:s29+s2], $0x80, v0, vm0, $0xb8;
	[tilespmem:$0xA080] =	vst v63  }
0x43: {  	s24 =	simm.s32 $0x9880;
	s25 =	simm.s32 $0x1  }
0x44: {  	[tilespmem:s24], [sflag:$0x2] =	stream.indirect_vreg.gather [hbm4b:s30+s2], $0x80, v0, vm0, $0xb8;
	[tilespmem:$0xA080] =	vst v63  }
0x45: {  	s26 =	smul.u32 $0x1400, s0;
	_ =	swait.ge [sflag:s25], $0x6000  }
0x46: {  	s28 =	smul.u32 $0xA000, s0;
	s4 =	sadd.s32 $0x1600, s4;
	[sflag:s25] =	ssyncset.done $0x0  }
0x47: {  	s7 =	sadd.s32 s4, s26;
	s29 =	simm.s32 $0x2;
	[sflag:s25] =	ssyncadd.s32 $0xFFFFA000  }
0x48: {  	[hbm4b:s7+s2] =	stream.linear.scatter [tilespmem:s6], [sflag:$0x3], $0x6000, $0x38;
	[tilespmem:$0xA080] =	vst v63  }
0x49: {  	s30 =	sshrl.u32 s28, $0x3;
	_ =	swait.ge [sflag:s29], $0x4000  }
0x4a: {  	s4 =	sadd.s32 s4, s30;
	[sflag:s29] =	ssyncset.done $0x0  }
0x4b: {  	s4 =	sadd.s32 $0xC00, s4;
	[sflag:s29] =	ssyncadd.s32 $0xFFFFC000  }
0x4c: {  	[hbm4b:s4+s2] =	stream.linear.scatter [tilespmem:s18], [sflag:$0x4], $0x4000, $0x38;
	[tilespmem:$0xA080] =	vst v63  }
0x4d: {  	_ =	swait.ge [sflag:s3], $0x4000  }
0x4e: {  	[sflag:s3] =	ssyncset.done $0x0  }
0x4f: {  	s31 =	simm.s32 $0x3;
	[sflag:s3] =	ssyncadd.s32 $0xFFFFC000  }
0x50: {  	_ =	swait.ge [sflag:s31], $0x6000  }
0x51: {  	[sflag:s31] =	ssyncset.done $0x0  }
0x52: {  	[sflag:s31] =	ssyncadd.s32 $0xFFFFA000  }
0x53: {  	_ =	sfence.sel $0x180000  }
0x54: {  	[bflag:$0x0] =	sbarrier.arrive $0xFFFF  }
0x55: {  	p0 =	sne.s32 s0, $0x0;
	_ =	strace $0x90000047  }
0x56: {  	s0 =	sadd.s32 @!p0 $0x100000, s1;
	[bflag:$0x2] =	sbarrier.arrive $0xFFFF  }
0x57: {  	[sflag:s0] =	ssyncadd.tile.s32 @!p0 $0x1;
	_ =	shalt  }
.Lfunc_end2:
_tile_overlayer_lowered:
.L_overlay_start_2:
0x58: {  	(tag) =	ssettag $0x2  }
0x59: {  	s0 =	rddreg [dreg:$0x0];
	s2 =	stileid.u32  }
0x5a: {  	s1 =	rddreg [dreg:$0x1];
	p0 =	sne.s32 s2, $0x0  }
0x5b: {  	s3 =	rddreg [dreg:$0x2];
	[bflag:$0x3] =	sbarrier.arrive $0xFFFF;
	s2 =	simm.s32 @!p0 $0x1C04  }
0x5c: {  	[timem:s3], [sflag:s2] =	dma.local @!p0 [hbm:s0], s1  }
0x5d: {  	s0 =	simm.s32 @!p0 $0x4  }
0x5e: {  	_ =	swait.ge @!p0 [sflag:s0], s1  }
0x5f: {  	s1 =	ssub.s32 @!p0 $0x0, s1;
	[sflag:s0] =	ssyncset.done @!p0 $0x0  }
0x60: {  	[sflag:s0] =	ssyncadd.s32 @!p0 s1  }
0x61: {  	[bflag:$0x3] =	sbarrier.arrive $0xFFFF  }
0x62: {  	_ =	shalt  }

</sc_bundles>
